<compile_context>
chip_gen: v7x
topology: tpu7x:2x2x1
jax: 0.10.2.dev20260603
libtpu: 0.0.44.dev20260713+nightly
codegen_flags: <defaults>
</compile_context>

<pallas_src>
import functools

import jax
import jax.numpy as jnp
from jax import lax
from jax.experimental import pallas as pl
from jax.experimental.pallas import tpu as pltpu
from jax.experimental.pallas import tpu_sc as plsc

DIM = 128
GAMMA = 12.0
BATCH = 16384

NC = 2
NS = 16
L = 16
NW = NC * NS
B_PER_W = BATCH // NW
CH = 64
N_CH = B_PER_W // CH
NBUF = 3
KSEG = DIM // L


@functools.cache
def _build():
    mesh = plsc.VectorSubcoreMesh(
        core_axis_name="c", subcore_axis_name="s",
        num_cores=NC, num_subcores=NS,
    )

    @functools.partial(
        pl.kernel,
        mesh=mesh,
        compiler_params=pltpu.CompilerParams(needs_layout_passes=False),
        out_type=jax.ShapeDtypeStruct((BATCH,), jnp.float32),
        scratch_types=[
            pltpu.VMEM((B_PER_W,), jnp.int32),
            pltpu.VMEM((B_PER_W,), jnp.int32),
            pltpu.VMEM((B_PER_W,), jnp.int32),
            pltpu.VMEM((NBUF, CH, DIM), jnp.float32),
            pltpu.VMEM((NBUF, CH, DIM), jnp.float32),
            pltpu.VMEM((NBUF, CH, DIM), jnp.float32),
            pltpu.VMEM((B_PER_W,), jnp.float32),
            pltpu.SemaphoreType.DMA((NBUF,)),
        ],
    )
    def transe_kernel(hidx_hbm, ridx_hbm, tidx_hbm, ent_hbm, rel_hbm,
                      out_hbm, hi_v, ri_v, ti_v, h_v, r_v, t_v,
                      o_v, sem):
        w = lax.axis_index("s") * NC + lax.axis_index("c")
        base = w * B_PER_W

        bsl = pl.ds(base, B_PER_W)
        cp_h = pltpu.async_copy(hidx_hbm.at[bsl], hi_v, sem.at[0])
        cp_r = pltpu.async_copy(ridx_hbm.at[bsl], ri_v, sem.at[1])
        cp_t = pltpu.async_copy(tidx_hbm.at[bsl], ti_v, sem.at[2])
        cp_h.wait()
        cp_r.wait()
        cp_t.wait()

        lane = lax.iota(jnp.int32, L)

        def fire(j, b):
            sl = pl.ds(j * CH, CH)
            pltpu.async_copy(ent_hbm.at[hi_v.at[sl]], h_v.at[b], sem.at[b])
            pltpu.async_copy(rel_hbm.at[ri_v.at[sl]], r_v.at[b], sem.at[b])
            pltpu.async_copy(ent_hbm.at[ti_v.at[sl]], t_v.at[b], sem.at[b])

        def drain(j, b):
            sl = pl.ds(j * CH, CH)
            pltpu.make_async_copy(ent_hbm.at[hi_v.at[sl]], h_v.at[b],
                                  sem.at[b]).wait()
            pltpu.make_async_copy(rel_hbm.at[ri_v.at[sl]], r_v.at[b],
                                  sem.at[b]).wait()
            pltpu.make_async_copy(ent_hbm.at[ti_v.at[sl]], t_v.at[b],
                                  sem.at[b]).wait()

        def compute(j, b):
            hb, rb, tb = h_v.at[b], r_v.at[b], t_v.at[b]

            @plsc.parallel_loop(0, CH // L, 1)
            def _group(g):
                zero = jnp.zeros((L,), jnp.float32)

                @plsc.parallel_loop(0, L, 1, unroll=2, carry=zero)
                def svec(i, sv):
                    row = g * L + i
                    acc0 = jnp.zeros((L,), jnp.float32)
                    acc1 = jnp.zeros((L,), jnp.float32)
                    for k in range(0, KSEG, 2):
                        hv = hb[row, pl.ds(k * L, L)]
                        rv = rb[row, pl.ds(k * L, L)]
                        tv = tb[row, pl.ds(k * L, L)]
                        acc0 = acc0 + jnp.abs(hv + rv - tv)
                        hv = hb[row, pl.ds((k + 1) * L, L)]
                        rv = rb[row, pl.ds((k + 1) * L, L)]
                        tv = tb[row, pl.ds((k + 1) * L, L)]
                        acc1 = acc1 + jnp.abs(hv + rv - tv)
                    s = jnp.sum(acc0 + acc1)
                    return sv + jnp.where(lane == i, s, 0.0)

                o_v[pl.ds(j * CH + g * L, L)] = GAMMA - svec

        fire(0, 0)
        fire(1, 1)

        def do_chunk(j, carry):
            b = j % NBUF
            drain(j, b)

            @pl.when(j + 2 < N_CH)
            def _():
                fire(j + 2, (j + 2) % NBUF)

            compute(j, b)
            return carry

        lax.fori_loop(0, N_CH, do_chunk, 0)
        pltpu.sync_copy(o_v, out_hbm.at[pl.ds(base, B_PER_W)])

    return transe_kernel


def kernel(sample, entity_embedding, relation_embedding):
    hidx = sample[:, 0]
    ridx = sample[:, 1]
    tidx = sample[:, 2]
    score = _build()(hidx, ridx, tidx, entity_embedding, relation_embedding)
    return score.reshape(BATCH, 1)

# --- scband reference (transcript-rebuilt; emitter-appended) ---
"""Pipeline reference for scband-kgemodel-12833362280951 (READ-ONLY COPY).

The authoritative reference and input builder live on the scoring server;
editing this copy changes nothing except your own understanding.
"""

import jax, jax.numpy as jnp
import numpy as np

NENTITY = 100000
NRELATION = 100000
DIM = 128
GAMMA = 12.0
BATCH = 16384


def setup_inputs(seed: int = 0) -> dict:
    key = jax.random.key(seed)
    k1, k2, k3 = jax.random.split(key, 3)
    sample = jax.random.randint(k1, (BATCH, 3), 0, NENTITY, dtype=jnp.int32)
    bound = 6.0 / np.sqrt(DIM)
    entity_embedding = jax.random.uniform(k2, (NENTITY, DIM), minval=-bound, maxval=bound, dtype=jnp.float32)
    relation_embedding = jax.random.uniform(k3, (NRELATION, DIM), minval=-bound, maxval=bound, dtype=jnp.float32)
    return {"sample": sample, "entity_embedding": entity_embedding, "relation_embedding": relation_embedding}


def reference(sample, entity_embedding, relation_embedding):
    # KGEModel.forward in 'single' mode with model_name == 'TransE':
    # head/relation/tail are gathered rows, score = gamma - ||h + r - t||_1
    head = jnp.take(entity_embedding, sample[:, 0], axis=0)[:, None, :]
    relation = jnp.take(relation_embedding, sample[:, 1], axis=0)[:, None, :]
    tail = jnp.take(entity_embedding, sample[:, 2], axis=0)[:, None, :]
    score = GAMMA - jnp.sum(jnp.abs(head + relation - tail), axis=2)
    return score  # [BATCH, 1]

if __name__ == "__main__":
    import jax
    _d = setup_inputs()
    print(jax.jit(kernel)(*tuple(_d.values())))

</pallas_src>

<mosaic_0001>
#map = affine_map<(d0, d1) -> (0)>
#map1 = affine_map<(d0, d1) -> (0, 0)>
module attributes {stable_mosaic.version = 14 : i64} {
  func.func @transe_kernel(%arg0: i32, %arg1: i32, %arg2: memref<16384xi32, #tpu.memory_space<hbm>>, %arg3: memref<16384xi32, #tpu.memory_space<hbm>>, %arg4: memref<16384xi32, #tpu.memory_space<hbm>>, %arg5: memref<100000x128xf32, #tpu.memory_space<hbm>>, %arg6: memref<100000x128xf32, #tpu.memory_space<hbm>>, %arg7: memref<16384xf32, #tpu.memory_space<hbm>>, %arg8: memref<512xi32, #tpu.memory_space<vmem>>, %arg9: memref<512xi32, #tpu.memory_space<vmem>>, %arg10: memref<512xi32, #tpu.memory_space<vmem>>, %arg11: memref<3x64x128xf32, #tpu.memory_space<vmem>>, %arg12: memref<3x64x128xf32, #tpu.memory_space<vmem>>, %arg13: memref<3x64x128xf32, #tpu.memory_space<vmem>>, %arg14: memref<512xf32, #tpu.memory_space<vmem>>, %arg15: memref<3x!tpu.dma_semaphore, #tpu.memory_space<semaphore_mem>>) attributes {dimension_semantics = [#tpu.dimension_semantics<core_parallel>, #tpu.dimension_semantics<subcore_parallel>], iteration_bounds = array<i64: 2, 16>, scalar_prefetch = 0 : i64, scratch_operands = 8 : i64, tpu.core_type = #tpu.core_type<sc_vector_subcore>, window_params = [{transform_indices = #map}, {transform_indices = #map}, {transform_indices = #map}, {transform_indices = #map1}, {transform_indices = #map1}, {transform_indices = #map}]} {
    %mul3A = arith.constant 2 : i32
    %mul3A_0 = arith.muli %arg1, %mul3A : i32
    %add3A = arith.addi %mul3A_0, %arg0 : i32
    %mul3A_1 = arith.constant 512 : i32
    %mul3A_2 = arith.muli %add3A, %mul3A_1 : i32
    %dma_start3A = arith.constant 0 : i32
    %dma_start3A_3 = tpu.memref_slice %arg2[%mul3A_2] : memref<16384xi32, #tpu.memory_space<hbm>> -> memref<512xi32, #tpu.memory_space<hbm>>
    %dma_start3A_4 = tpu.memref_slice %arg15[%dma_start3A] : memref<3x!tpu.dma_semaphore, #tpu.memory_space<semaphore_mem>> -> memref<1x!tpu.dma_semaphore, #tpu.memory_space<semaphore_mem>>
    %dma_start3A_5 = tpu.memref_squeeze %dma_start3A_4 : memref<1x!tpu.dma_semaphore, #tpu.memory_space<semaphore_mem>> -> memref<!tpu.dma_semaphore, #tpu.memory_space<semaphore_mem>>
    %dma_start3A_6 = tpu.memref_slice %arg2[%mul3A_2] : memref<16384xi32, #tpu.memory_space<hbm>> -> memref<512xi32, #tpu.memory_space<hbm>>
    tpu.enqueue_dma source(%dma_start3A_6 : memref<512xi32, #tpu.memory_space<hbm>>) target(%arg8 : memref<512xi32, #tpu.memory_space<vmem>>) target_semaphore(%dma_start3A_5 : memref<!tpu.dma_semaphore, #tpu.memory_space<semaphore_mem>>)
    %dma_start3A_7 = arith.constant 1 : i32
    %dma_start3A_8 = tpu.memref_slice %arg3[%mul3A_2] : memref<16384xi32, #tpu.memory_space<hbm>> -> memref<512xi32, #tpu.memory_space<hbm>>
    %dma_start3A_9 = tpu.memref_slice %arg15[%dma_start3A_7] : memref<3x!tpu.dma_semaphore, #tpu.memory_space<semaphore_mem>> -> memref<1x!tpu.dma_semaphore, #tpu.memory_space<semaphore_mem>>
    %dma_start3A_10 = tpu.memref_squeeze %dma_start3A_9 : memref<1x!tpu.dma_semaphore, #tpu.memory_space<semaphore_mem>> -> memref<!tpu.dma_semaphore, #tpu.memory_space<semaphore_mem>>
    %dma_start3A_11 = tpu.memref_slice %arg3[%mul3A_2] : memref<16384xi32, #tpu.memory_space<hbm>> -> memref<512xi32, #tpu.memory_space<hbm>>
    tpu.enqueue_dma source(%dma_start3A_11 : memref<512xi32, #tpu.memory_space<hbm>>) target(%arg9 : memref<512xi32, #tpu.memory_space<vmem>>) target_semaphore(%dma_start3A_10 : memref<!tpu.dma_semaphore, #tpu.memory_space<semaphore_mem>>)
    %dma_start3A_12 = arith.constant 2 : i32
    %dma_start3A_13 = tpu.memref_slice %arg4[%mul3A_2] : memref<16384xi32, #tpu.memory_space<hbm>> -> memref<512xi32, #tpu.memory_space<hbm>>
    %dma_start3A_14 = tpu.memref_slice %arg15[%dma_start3A_12] : memref<3x!tpu.dma_semaphore, #tpu.memory_space<semaphore_mem>> -> memref<1x!tpu.dma_semaphore, #tpu.memory_space<semaphore_mem>>
    %dma_start3A_15 = tpu.memref_squeeze %dma_start3A_14 : memref<1x!tpu.dma_semaphore, #tpu.memory_space<semaphore_mem>> -> memref<!tpu.dma_semaphore, #tpu.memory_space<semaphore_mem>>
    %dma_start3A_16 = tpu.memref_slice %arg4[%mul3A_2] : memref<16384xi32, #tpu.memory_space<hbm>> -> memref<512xi32, #tpu.memory_space<hbm>>
    tpu.enqueue_dma source(%dma_start3A_16 : memref<512xi32, #tpu.memory_space<hbm>>) target(%arg10 : memref<512xi32, #tpu.memory_space<vmem>>) target_semaphore(%dma_start3A_15 : memref<!tpu.dma_semaphore, #tpu.memory_space<semaphore_mem>>)
    %dma_wait3A = arith.constant 0 : i32
    %dma_wait3A_17 = tpu.memref_slice %arg2[%mul3A_2] : memref<16384xi32, #tpu.memory_space<hbm>> -> memref<512xi32, #tpu.memory_space<hbm>>
    %dma_wait3A_18 = tpu.memref_slice %arg15[%dma_wait3A] : memref<3x!tpu.dma_semaphore, #tpu.memory_space<semaphore_mem>> -> memref<1x!tpu.dma_semaphore, #tpu.memory_space<semaphore_mem>>
    %dma_wait3A_19 = tpu.memref_squeeze %dma_wait3A_18 : memref<1x!tpu.dma_semaphore, #tpu.memory_space<semaphore_mem>> -> memref<!tpu.dma_semaphore, #tpu.memory_space<semaphore_mem>>
    %dma_wait3A_20 = tpu.memref_slice %arg2[%mul3A_2] : memref<16384xi32, #tpu.memory_space<hbm>> -> memref<512xi32, #tpu.memory_space<hbm>>
    tpu.wait_dma2 semaphore(%dma_wait3A_19 : memref<!tpu.dma_semaphore, #tpu.memory_space<semaphore_mem>>) src(%dma_wait3A_20 : memref<512xi32, #tpu.memory_space<hbm>>) dst(%arg8 : memref<512xi32, #tpu.memory_space<vmem>>)
    %dma_wait3A_21 = arith.constant 1 : i32
    %dma_wait3A_22 = tpu.memref_slice %arg3[%mul3A_2] : memref<16384xi32, #tpu.memory_space<hbm>> -> memref<512xi32, #tpu.memory_space<hbm>>
    %dma_wait3A_23 = tpu.memref_slice %arg15[%dma_wait3A_21] : memref<3x!tpu.dma_semaphore, #tpu.memory_space<semaphore_mem>> -> memref<1x!tpu.dma_semaphore, #tpu.memory_space<semaphore_mem>>
    %dma_wait3A_24 = tpu.memref_squeeze %dma_wait3A_23 : memref<1x!tpu.dma_semaphore, #tpu.memory_space<semaphore_mem>> -> memref<!tpu.dma_semaphore, #tpu.memory_space<semaphore_mem>>
    %dma_wait3A_25 = tpu.memref_slice %arg3[%mul3A_2] : memref<16384xi32, #tpu.memory_space<hbm>> -> memref<512xi32, #tpu.memory_space<hbm>>
    tpu.wait_dma2 semaphore(%dma_wait3A_24 : memref<!tpu.dma_semaphore, #tpu.memory_space<semaphore_mem>>) src(%dma_wait3A_25 : memref<512xi32, #tpu.memory_space<hbm>>) dst(%arg9 : memref<512xi32, #tpu.memory_space<vmem>>)
    %dma_wait3A_26 = arith.constant 2 : i32
    %dma_wait3A_27 = tpu.memref_slice %arg4[%mul3A_2] : memref<16384xi32, #tpu.memory_space<hbm>> -> memref<512xi32, #tpu.memory_space<hbm>>
    %dma_wait3A_28 = tpu.memref_slice %arg15[%dma_wait3A_26] : memref<3x!tpu.dma_semaphore, #tpu.memory_space<semaphore_mem>> -> memref<1x!tpu.dma_semaphore, #tpu.memory_space<semaphore_mem>>
    %dma_wait3A_29 = tpu.memref_squeeze %dma_wait3A_28 : memref<1x!tpu.dma_semaphore, #tpu.memory_space<semaphore_mem>> -> memref<!tpu.dma_semaphore, #tpu.memory_space<semaphore_mem>>
    %dma_wait3A_30 = tpu.memref_slice %arg4[%mul3A_2] : memref<16384xi32, #tpu.memory_space<hbm>> -> memref<512xi32, #tpu.memory_space<hbm>>
    tpu.wait_dma2 semaphore(%dma_wait3A_29 : memref<!tpu.dma_semaphore, #tpu.memory_space<semaphore_mem>>) src(%dma_wait3A_30 : memref<512xi32, #tpu.memory_space<hbm>>) dst(%arg10 : memref<512xi32, #tpu.memory_space<vmem>>)
    %iota3A = tpu.iota {dimensions = array<i32: 0>} : vector<16xi32>
    %dma_start3A_31 = arith.constant 0 : i32
    %dma_start3A_32 = arith.constant 0 : i32
    %dma_start3A_33 = arith.constant 0 : i32
    %dma_start3A_34 = arith.constant 0 : i32
    %dma_start3A_35 = tpu.memref_slice %arg11[%dma_start3A_31, %dma_start3A_33, %dma_start3A_34] : memref<3x64x128xf32, #tpu.memory_space<vmem>> -> memref<1x64x128xf32, #tpu.memory_space<vmem>>
    %dma_start3A_36 = tpu.memref_squeeze %dma_start3A_35 : memref<1x64x128xf32, #tpu.memory_space<vmem>> -> memref<64x128xf32, #tpu.memory_space<vmem>>
    %dma_start3A_37 = arith.constant 0 : i32
    %dma_start3A_38 = tpu.memref_slice %arg8[%dma_start3A_37] : memref<512xi32, #tpu.memory_space<vmem>> -> memref<64xi32, #tpu.memory_space<vmem>>
    %dma_start3A_39 = arith.constant 0 : i32
    %dma_start3A_40 = arith.constant 0 : i32
    %dma_start3A_41 = tpu.memref_slice %arg5[%dma_start3A_39, %dma_start3A_40] : memref<100000x128xf32, #tpu.memory_space<hbm>> -> memref<100000x128xf32, #tpu.memory_space<hbm>>
    %dma_start3A_42 = tpu.memref_slice %arg15[%dma_start3A_32] : memref<3x!tpu.dma_semaphore, #tpu.memory_space<semaphore_mem>> -> memref<1x!tpu.dma_semaphore, #tpu.memory_space<semaphore_mem>>
    %dma_start3A_43 = tpu.memref_squeeze %dma_start3A_42 : memref<1x!tpu.dma_semaphore, #tpu.memory_space<semaphore_mem>> -> memref<!tpu.dma_semaphore, #tpu.memory_space<semaphore_mem>>
    tpu.enqueue_indirect_dma source(%dma_start3A_41 : memref<100000x128xf32, #tpu.memory_space<hbm>>) target(%dma_start3A_36 : memref<64x128xf32, #tpu.memory_space<vmem>>) offsets(%dma_start3A_38 : memref<64xi32, #tpu.memory_space<vmem>>) semaphore(%dma_start3A_43 : memref<!tpu.dma_semaphore, #tpu.memory_space<semaphore_mem>>)
    %dma_start3A_44 = arith.constant 0 : i32
    %dma_start3A_45 = arith.constant 0 : i32
    %dma_start3A_46 = arith.constant 0 : i32
    %dma_start3A_47 = arith.constant 0 : i32
    %dma_start3A_48 = tpu.memref_slice %arg12[%dma_start3A_44, %dma_start3A_46, %dma_start3A_47] : memref<3x64x128xf32, #tpu.memory_space<vmem>> -> memref<1x64x128xf32, #tpu.memory_space<vmem>>
    %dma_start3A_49 = tpu.memref_squeeze %dma_start3A_48 : memref<1x64x128xf32, #tpu.memory_space<vmem>> -> memref<64x128xf32, #tpu.memory_space<vmem>>
    %dma_start3A_50 = arith.constant 0 : i32
    %dma_start3A_51 = tpu.memref_slice %arg9[%dma_start3A_50] : memref<512xi32, #tpu.memory_space<vmem>> -> memref<64xi32, #tpu.memory_space<vmem>>
    %dma_start3A_52 = arith.constant 0 : i32
    %dma_start3A_53 = arith.constant 0 : i32
    %dma_start3A_54 = tpu.memref_slice %arg6[%dma_start3A_52, %dma_start3A_53] : memref<100000x128xf32, #tpu.memory_space<hbm>> -> memref<100000x128xf32, #tpu.memory_space<hbm>>
    %dma_start3A_55 = tpu.memref_slice %arg15[%dma_start3A_45] : memref<3x!tpu.dma_semaphore, #tpu.memory_space<semaphore_mem>> -> memref<1x!tpu.dma_semaphore, #tpu.memory_space<semaphore_mem>>
    %dma_start3A_56 = tpu.memref_squeeze %dma_start3A_55 : memref<1x!tpu.dma_semaphore, #tpu.memory_space<semaphore_mem>> -> memref<!tpu.dma_semaphore, #tpu.memory_space<semaphore_mem>>
    tpu.enqueue_indirect_dma source(%dma_start3A_54 : memref<100000x128xf32, #tpu.memory_space<hbm>>) target(%dma_start3A_49 : memref<64x128xf32, #tpu.memory_space<vmem>>) offsets(%dma_start3A_51 : memref<64xi32, #tpu.memory_space<vmem>>) semaphore(%dma_start3A_56 : memref<!tpu.dma_semaphore, #tpu.memory_space<semaphore_mem>>)
    %dma_start3A_57 = arith.constant 0 : i32
    %dma_start3A_58 = arith.constant 0 : i32
    %dma_start3A_59 = arith.constant 0 : i32
    %dma_start3A_60 = arith.constant 0 : i32
    %dma_start3A_61 = tpu.memref_slice %arg13[%dma_start3A_57, %dma_start3A_59, %dma_start3A_60] : memref<3x64x128xf32, #tpu.memory_space<vmem>> -> memref<1x64x128xf32, #tpu.memory_space<vmem>>
    %dma_start3A_62 = tpu.memref_squeeze %dma_start3A_61 : memref<1x64x128xf32, #tpu.memory_space<vmem>> -> memref<64x128xf32, #tpu.memory_space<vmem>>
    %dma_start3A_63 = arith.constant 0 : i32
    %dma_start3A_64 = tpu.memref_slice %arg10[%dma_start3A_63] : memref<512xi32, #tpu.memory_space<vmem>> -> memref<64xi32, #tpu.memory_space<vmem>>
    %dma_start3A_65 = arith.constant 0 : i32
    %dma_start3A_66 = arith.constant 0 : i32
    %dma_start3A_67 = tpu.memref_slice %arg5[%dma_start3A_65, %dma_start3A_66] : memref<100000x128xf32, #tpu.memory_space<hbm>> -> memref<100000x128xf32, #tpu.memory_space<hbm>>
    %dma_start3A_68 = tpu.memref_slice %arg15[%dma_start3A_58] : memref<3x!tpu.dma_semaphore, #tpu.memory_space<semaphore_mem>> -> memref<1x!tpu.dma_semaphore, #tpu.memory_space<semaphore_mem>>
    %dma_start3A_69 = tpu.memref_squeeze %dma_start3A_68 : memref<1x!tpu.dma_semaphore, #tpu.memory_space<semaphore_mem>> -> memref<!tpu.dma_semaphore, #tpu.memory_space<semaphore_mem>>
    tpu.enqueue_indirect_dma source(%dma_start3A_67 : memref<100000x128xf32, #tpu.memory_space<hbm>>) target(%dma_start3A_62 : memref<64x128xf32, #tpu.memory_space<vmem>>) offsets(%dma_start3A_64 : memref<64xi32, #tpu.memory_space<vmem>>) semaphore(%dma_start3A_69 : memref<!tpu.dma_semaphore, #tpu.memory_space<semaphore_mem>>)
    %dma_start3A_70 = arith.constant 1 : i32
    %dma_start3A_71 = arith.constant 1 : i32
    %dma_start3A_72 = arith.constant 0 : i32
    %dma_start3A_73 = arith.constant 0 : i32
    %dma_start3A_74 = tpu.memref_slice %arg11[%dma_start3A_70, %dma_start3A_72, %dma_start3A_73] : memref<3x64x128xf32, #tpu.memory_space<vmem>> -> memref<1x64x128xf32, #tpu.memory_space<vmem>>
    %dma_start3A_75 = tpu.memref_squeeze %dma_start3A_74 : memref<1x64x128xf32, #tpu.memory_space<vmem>> -> memref<64x128xf32, #tpu.memory_space<vmem>>
    %dma_start3A_76 = arith.constant 64 : i32
    %dma_start3A_77 = tpu.memref_slice %arg8[%dma_start3A_76] : memref<512xi32, #tpu.memory_space<vmem>> -> memref<64xi32, #tpu.memory_space<vmem>>
    %dma_start3A_78 = arith.constant 0 : i32
    %dma_start3A_79 = arith.constant 0 : i32
    %dma_start3A_80 = tpu.memref_slice %arg5[%dma_start3A_78, %dma_start3A_79] : memref<100000x128xf32, #tpu.memory_space<hbm>> -> memref<100000x128xf32, #tpu.memory_space<hbm>>
    %dma_start3A_81 = tpu.memref_slice %arg15[%dma_start3A_71] : memref<3x!tpu.dma_semaphore, #tpu.memory_space<semaphore_mem>> -> memref<1x!tpu.dma_semaphore, #tpu.memory_space<semaphore_mem>>
    %dma_start3A_82 = tpu.memref_squeeze %dma_start3A_81 : memref<1x!tpu.dma_semaphore, #tpu.memory_space<semaphore_mem>> -> memref<!tpu.dma_semaphore, #tpu.memory_space<semaphore_mem>>
    tpu.enqueue_indirect_dma source(%dma_start3A_80 : memref<100000x128xf32, #tpu.memory_space<hbm>>) target(%dma_start3A_75 : memref<64x128xf32, #tpu.memory_space<vmem>>) offsets(%dma_start3A_77 : memref<64xi32, #tpu.memory_space<vmem>>) semaphore(%dma_start3A_82 : memref<!tpu.dma_semaphore, #tpu.memory_space<semaphore_mem>>)
    %dma_start3A_83 = arith.constant 1 : i32
    %dma_start3A_84 = arith.constant 1 : i32
    %dma_start3A_85 = arith.constant 0 : i32
    %dma_start3A_86 = arith.constant 0 : i32
    %dma_start3A_87 = tpu.memref_slice %arg12[%dma_start3A_83, %dma_start3A_85, %dma_start3A_86] : memref<3x64x128xf32, #tpu.memory_space<vmem>> -> memref<1x64x128xf32, #tpu.memory_space<vmem>>
    %dma_start3A_88 = tpu.memref_squeeze %dma_start3A_87 : memref<1x64x128xf32, #tpu.memory_space<vmem>> -> memref<64x128xf32, #tpu.memory_space<vmem>>
    %dma_start3A_89 = arith.constant 64 : i32
    %dma_start3A_90 = tpu.memref_slice %arg9[%dma_start3A_89] : memref<512xi32, #tpu.memory_space<vmem>> -> memref<64xi32, #tpu.memory_space<vmem>>
    %dma_start3A_91 = arith.constant 0 : i32
    %dma_start3A_92 = arith.constant 0 : i32
    %dma_start3A_93 = tpu.memref_slice %arg6[%dma_start3A_91, %dma_start3A_92] : memref<100000x128xf32, #tpu.memory_space<hbm>> -> memref<100000x128xf32, #tpu.memory_space<hbm>>
    %dma_start3A_94 = tpu.memref_slice %arg15[%dma_start3A_84] : memref<3x!tpu.dma_semaphore, #tpu.memory_space<semaphore_mem>> -> memref<1x!tpu.dma_semaphore, #tpu.memory_space<semaphore_mem>>
    %dma_start3A_95 = tpu.memref_squeeze %dma_start3A_94 : memref<1x!tpu.dma_semaphore, #tpu.memory_space<semaphore_mem>> -> memref<!tpu.dma_semaphore, #tpu.memory_space<semaphore_mem>>
    tpu.enqueue_indirect_dma source(%dma_start3A_93 : memref<100000x128xf32, #tpu.memory_space<hbm>>) target(%dma_start3A_88 : memref<64x128xf32, #tpu.memory_space<vmem>>) offsets(%dma_start3A_90 : memref<64xi32, #tpu.memory_space<vmem>>) semaphore(%dma_start3A_95 : memref<!tpu.dma_semaphore, #tpu.memory_space<semaphore_mem>>)
    %dma_start3A_96 = arith.constant 1 : i32
    %dma_start3A_97 = arith.constant 1 : i32
    %dma_start3A_98 = arith.constant 0 : i32
    %dma_start3A_99 = arith.constant 0 : i32
    %dma_start3A_100 = tpu.memref_slice %arg13[%dma_start3A_96, %dma_start3A_98, %dma_start3A_99] : memref<3x64x128xf32, #tpu.memory_space<vmem>> -> memref<1x64x128xf32, #tpu.memory_space<vmem>>
    %dma_start3A_101 = tpu.memref_squeeze %dma_start3A_100 : memref<1x64x128xf32, #tpu.memory_space<vmem>> -> memref<64x128xf32, #tpu.memory_space<vmem>>
    %dma_start3A_102 = arith.constant 64 : i32
    %dma_start3A_103 = tpu.memref_slice %arg10[%dma_start3A_102] : memref<512xi32, #tpu.memory_space<vmem>> -> memref<64xi32, #tpu.memory_space<vmem>>
    %dma_start3A_104 = arith.constant 0 : i32
    %dma_start3A_105 = arith.constant 0 : i32
    %dma_start3A_106 = tpu.memref_slice %arg5[%dma_start3A_104, %dma_start3A_105] : memref<100000x128xf32, #tpu.memory_space<hbm>> -> memref<100000x128xf32, #tpu.memory_space<hbm>>
    %dma_start3A_107 = tpu.memref_slice %arg15[%dma_start3A_97] : memref<3x!tpu.dma_semaphore, #tpu.memory_space<semaphore_mem>> -> memref<1x!tpu.dma_semaphore, #tpu.memory_space<semaphore_mem>>
    %dma_start3A_108 = tpu.memref_squeeze %dma_start3A_107 : memref<1x!tpu.dma_semaphore, #tpu.memory_space<semaphore_mem>> -> memref<!tpu.dma_semaphore, #tpu.memory_space<semaphore_mem>>
    tpu.enqueue_indirect_dma source(%dma_start3A_106 : memref<100000x128xf32, #tpu.memory_space<hbm>>) target(%dma_start3A_101 : memref<64x128xf32, #tpu.memory_space<vmem>>) offsets(%dma_start3A_103 : memref<64xi32, #tpu.memory_space<vmem>>) semaphore(%dma_start3A_108 : memref<!tpu.dma_semaphore, #tpu.memory_space<semaphore_mem>>)
    %scan3A = arith.constant 0 : i32
    %scan3A_109 = arith.constant 0 : i32
    %scan3A_110 = arith.constant 8 : i32
    %scan3A_111 = arith.addi %scan3A_109, %scan3A_110 : i32
    %scan3A_112 = arith.constant 1 : i32
    scf.for %scan3A_114 = %scan3A_109 to %scan3A_111 step %scan3A_112  : i32 {
      %jit3A = arith.constant 3 : i32
      %eq3A = arith.constant 0 : i32
      %eq3A_115 = arith.cmpi eq, %jit3A, %eq3A : i32
      %jit3A_116 = arith.constant 1 : i32
      %select_n3A = arith.select %eq3A_115, %jit3A_116, %jit3A : i32
      %rem3A = arith.remsi %scan3A_114, %select_n3A : i32
      %ne3A = arith.constant 0 : i32
      %ne3A_117 = arith.cmpi ne, %rem3A, %ne3A : i32
      %lt3A = arith.constant 0 : i32
      %lt3A_118 = arith.cmpi slt, %rem3A, %lt3A : i32
      %lt3A_119 = arith.constant 0 : i32
      %lt3A_120 = arith.cmpi slt, %select_n3A, %lt3A_119 : i32
      %ne3A_121 = arith.xori %lt3A_118, %lt3A_120 : i1
      %and3A = arith.andi %ne3A_121, %ne3A_117 : i1
      %add3A_122 = arith.addi %rem3A, %select_n3A : i32
      %select_n3A_123 = arith.select %and3A, %add3A_122, %rem3A : i32
      %mul3A_124 = arith.constant 64 : i32
      %mul3A_125 = arith.muli %scan3A_114, %mul3A_124 : i32
      %dma_wait3A_126 = arith.constant 0 : i32
      %dma_wait3A_127 = arith.constant 0 : i32
      %dma_wait3A_128 = tpu.memref_slice %arg11[%select_n3A_123, %dma_wait3A_126, %dma_wait3A_127] : memref<3x64x128xf32, #tpu.memory_space<vmem>> -> memref<1x64x128xf32, #tpu.memory_space<vmem>>
      %dma_wait3A_129 = tpu.memref_squeeze %dma_wait3A_128 : memref<1x64x128xf32, #tpu.memory_space<vmem>> -> memref<64x128xf32, #tpu.memory_space<vmem>>
      %dma_wait3A_130 = tpu.memref_slice %arg8[%mul3A_125] : memref<512xi32, #tpu.memory_space<vmem>> -> memref<64xi32, #tpu.memory_space<vmem>>
      %dma_wait3A_131 = arith.constant 0 : i32
      %dma_wait3A_132 = arith.constant 0 : i32
      %dma_wait3A_133 = tpu.memref_slice %arg5[%dma_wait3A_131, %dma_wait3A_132] : memref<100000x128xf32, #tpu.memory_space<hbm>> -> memref<100000x128xf32, #tpu.memory_space<hbm>>
      %dma_wait3A_134 = tpu.memref_slice %arg15[%select_n3A_123] : memref<3x!tpu.dma_semaphore, #tpu.memory_space<semaphore_mem>> -> memref<1x!tpu.dma_semaphore, #tpu.memory_space<semaphore_mem>>
      %dma_wait3A_135 = tpu.memref_squeeze %dma_wait3A_134 : memref<1x!tpu.dma_semaphore, #tpu.memory_space<semaphore_mem>> -> memref<!tpu.dma_semaphore, #tpu.memory_space<semaphore_mem>>
      tpu.wait_indirect_dma semaphore(%dma_wait3A_135 : memref<!tpu.dma_semaphore, #tpu.memory_space<semaphore_mem>>) src(%dma_wait3A_133 : memref<100000x128xf32, #tpu.memory_space<hbm>>) dst(%dma_wait3A_129 : memref<64x128xf32, #tpu.memory_space<vmem>>)
      %dma_wait3A_136 = arith.constant 0 : i32
      %dma_wait3A_137 = arith.constant 0 : i32
      %dma_wait3A_138 = tpu.memref_slice %arg12[%select_n3A_123, %dma_wait3A_136, %dma_wait3A_137] : memref<3x64x128xf32, #tpu.memory_space<vmem>> -> memref<1x64x128xf32, #tpu.memory_space<vmem>>
      %dma_wait3A_139 = tpu.memref_squeeze %dma_wait3A_138 : memref<1x64x128xf32, #tpu.memory_space<vmem>> -> memref<64x128xf32, #tpu.memory_space<vmem>>
      %dma_wait3A_140 = tpu.memref_slice %arg9[%mul3A_125] : memref<512xi32, #tpu.memory_space<vmem>> -> memref<64xi32, #tpu.memory_space<vmem>>
      %dma_wait3A_141 = arith.constant 0 : i32
      %dma_wait3A_142 = arith.constant 0 : i32
      %dma_wait3A_143 = tpu.memref_slice %arg6[%dma_wait3A_141, %dma_wait3A_142] : memref<100000x128xf32, #tpu.memory_space<hbm>> -> memref<100000x128xf32, #tpu.memory_space<hbm>>
      %dma_wait3A_144 = tpu.memref_slice %arg15[%select_n3A_123] : memref<3x!tpu.dma_semaphore, #tpu.memory_space<semaphore_mem>> -> memref<1x!tpu.dma_semaphore, #tpu.memory_space<semaphore_mem>>
      %dma_wait3A_145 = tpu.memref_squeeze %dma_wait3A_144 : memref<1x!tpu.dma_semaphore, #tpu.memory_space<semaphore_mem>> -> memref<!tpu.dma_semaphore, #tpu.memory_space<semaphore_mem>>
      tpu.wait_indirect_dma semaphore(%dma_wait3A_145 : memref<!tpu.dma_semaphore, #tpu.memory_space<semaphore_mem>>) src(%dma_wait3A_143 : memref<100000x128xf32, #tpu.memory_space<hbm>>) dst(%dma_wait3A_139 : memref<64x128xf32, #tpu.memory_space<vmem>>)
      %dma_wait3A_146 = arith.constant 0 : i32
      %dma_wait3A_147 = arith.constant 0 : i32
      %dma_wait3A_148 = tpu.memref_slice %arg13[%select_n3A_123, %dma_wait3A_146, %dma_wait3A_147] : memref<3x64x128xf32, #tpu.memory_space<vmem>> -> memref<1x64x128xf32, #tpu.memory_space<vmem>>
      %dma_wait3A_149 = tpu.memref_squeeze %dma_wait3A_148 : memref<1x64x128xf32, #tpu.memory_space<vmem>> -> memref<64x128xf32, #tpu.memory_space<vmem>>
      %dma_wait3A_150 = tpu.memref_slice %arg10[%mul3A_125] : memref<512xi32, #tpu.memory_space<vmem>> -> memref<64xi32, #tpu.memory_space<vmem>>
      %dma_wait3A_151 = arith.constant 0 : i32
      %dma_wait3A_152 = arith.constant 0 : i32
      %dma_wait3A_153 = tpu.memref_slice %arg5[%dma_wait3A_151, %dma_wait3A_152] : memref<100000x128xf32, #tpu.memory_space<hbm>> -> memref<100000x128xf32, #tpu.memory_space<hbm>>
      %dma_wait3A_154 = tpu.memref_slice %arg15[%select_n3A_123] : memref<3x!tpu.dma_semaphore, #tpu.memory_space<semaphore_mem>> -> memref<1x!tpu.dma_semaphore, #tpu.memory_space<semaphore_mem>>
      %dma_wait3A_155 = tpu.memref_squeeze %dma_wait3A_154 : memref<1x!tpu.dma_semaphore, #tpu.memory_space<semaphore_mem>> -> memref<!tpu.dma_semaphore, #tpu.memory_space<semaphore_mem>>
      tpu.wait_indirect_dma semaphore(%dma_wait3A_155 : memref<!tpu.dma_semaphore, #tpu.memory_space<semaphore_mem>>) src(%dma_wait3A_153 : memref<100000x128xf32, #tpu.memory_space<hbm>>) dst(%dma_wait3A_149 : memref<64x128xf32, #tpu.memory_space<vmem>>)
      %add3A_156 = arith.constant 2 : i32
      %add3A_157 = arith.addi %scan3A_114, %add3A_156 : i32
      %lt3A_158 = arith.constant 8 : i32
      %lt3A_159 = arith.cmpi slt, %add3A_157, %lt3A_158 : i32
      %convert_element_type3A = arith.extui %lt3A_159 : i1 to i32
      %cond3A = arith.constant 0 : i32
      %cond3A_160 = arith.cmpi ne, %convert_element_type3A, %cond3A : i32
      scf.if %cond3A_160 {
        %add3A_163 = arith.constant 2 : i32
        %add3A_164 = arith.addi %scan3A_114, %add3A_163 : i32
        %add3A_165 = arith.constant 2 : i32
        %add3A_166 = arith.addi %scan3A_114, %add3A_165 : i32
        %jit3A_167 = arith.constant 3 : i32
        %eq3A_168 = arith.constant 0 : i32
        %eq3A_169 = arith.cmpi eq, %jit3A_167, %eq3A_168 : i32
        %jit3A_170 = arith.constant 1 : i32
        %select_n3A_171 = arith.select %eq3A_169, %jit3A_170, %jit3A_167 : i32
        %rem3A_172 = arith.remsi %add3A_166, %select_n3A_171 : i32
        %ne3A_173 = arith.constant 0 : i32
        %ne3A_174 = arith.cmpi ne, %rem3A_172, %ne3A_173 : i32
        %lt3A_175 = arith.constant 0 : i32
        %lt3A_176 = arith.cmpi slt, %rem3A_172, %lt3A_175 : i32
        %lt3A_177 = arith.constant 0 : i32
        %lt3A_178 = arith.cmpi slt, %select_n3A_171, %lt3A_177 : i32
        %ne3A_179 = arith.xori %lt3A_176, %lt3A_178 : i1
        %and3A_180 = arith.andi %ne3A_179, %ne3A_174 : i1
        %add3A_181 = arith.addi %rem3A_172, %select_n3A_171 : i32
        %select_n3A_182 = arith.select %and3A_180, %add3A_181, %rem3A_172 : i32
        %mul3A_183 = arith.constant 64 : i32
        %mul3A_184 = arith.muli %add3A_164, %mul3A_183 : i32
        %dma_start3A_185 = arith.constant 0 : i32
        %dma_start3A_186 = arith.constant 0 : i32
        %dma_start3A_187 = tpu.memref_slice %arg11[%select_n3A_182, %dma_start3A_185, %dma_start3A_186] : memref<3x64x128xf32, #tpu.memory_space<vmem>> -> memref<1x64x128xf32, #tpu.memory_space<vmem>>
        %dma_start3A_188 = tpu.memref_squeeze %dma_start3A_187 : memref<1x64x128xf32, #tpu.memory_space<vmem>> -> memref<64x128xf32, #tpu.memory_space<vmem>>
        %dma_start3A_189 = tpu.memref_slice %arg8[%mul3A_184] : memref<512xi32, #tpu.memory_space<vmem>> -> memref<64xi32, #tpu.memory_space<vmem>>
        %dma_start3A_190 = arith.constant 0 : i32
        %dma_start3A_191 = arith.constant 0 : i32
        %dma_start3A_192 = tpu.memref_slice %arg5[%dma_start3A_190, %dma_start3A_191] : memref<100000x128xf32, #tpu.memory_space<hbm>> -> memref<100000x128xf32, #tpu.memory_space<hbm>>
        %dma_start3A_193 = tpu.memref_slice %arg15[%select_n3A_182] : memref<3x!tpu.dma_semaphore, #tpu.memory_space<semaphore_mem>> -> memref<1x!tpu.dma_semaphore, #tpu.memory_space<semaphore_mem>>
        %dma_start3A_194 = tpu.memref_squeeze %dma_start3A_193 : memref<1x!tpu.dma_semaphore, #tpu.memory_space<semaphore_mem>> -> memref<!tpu.dma_semaphore, #tpu.memory_space<semaphore_mem>>
        tpu.enqueue_indirect_dma source(%dma_start3A_192 : memref<100000x128xf32, #tpu.memory_space<hbm>>) target(%dma_start3A_188 : memref<64x128xf32, #tpu.memory_space<vmem>>) offsets(%dma_start3A_189 : memref<64xi32, #tpu.memory_space<vmem>>) semaphore(%dma_start3A_194 : memref<!tpu.dma_semaphore, #tpu.memory_space<semaphore_mem>>)
        %dma_start3A_195 = arith.constant 0 : i32
        %dma_start3A_196 = arith.constant 0 : i32
        %dma_start3A_197 = tpu.memref_slice %arg12[%select_n3A_182, %dma_start3A_195, %dma_start3A_196] : memref<3x64x128xf32, #tpu.memory_space<vmem>> -> memref<1x64x128xf32, #tpu.memory_space<vmem>>
        %dma_start3A_198 = tpu.memref_squeeze %dma_start3A_197 : memref<1x64x128xf32, #tpu.memory_space<vmem>> -> memref<64x128xf32, #tpu.memory_space<vmem>>
        %dma_start3A_199 = tpu.memref_slice %arg9[%mul3A_184] : memref<512xi32, #tpu.memory_space<vmem>> -> memref<64xi32, #tpu.memory_space<vmem>>
        %dma_start3A_200 = arith.constant 0 : i32
        %dma_start3A_201 = arith.constant 0 : i32
        %dma_start3A_202 = tpu.memref_slice %arg6[%dma_start3A_200, %dma_start3A_201] : memref<100000x128xf32, #tpu.memory_space<hbm>> -> memref<100000x128xf32, #tpu.memory_space<hbm>>
        %dma_start3A_203 = tpu.memref_slice %arg15[%select_n3A_182] : memref<3x!tpu.dma_semaphore, #tpu.memory_space<semaphore_mem>> -> memref<1x!tpu.dma_semaphore, #tpu.memory_space<semaphore_mem>>
        %dma_start3A_204 = tpu.memref_squeeze %dma_start3A_203 : memref<1x!tpu.dma_semaphore, #tpu.memory_space<semaphore_mem>> -> memref<!tpu.dma_semaphore, #tpu.memory_space<semaphore_mem>>
        tpu.enqueue_indirect_dma source(%dma_start3A_202 : memref<100000x128xf32, #tpu.memory_space<hbm>>) target(%dma_start3A_198 : memref<64x128xf32, #tpu.memory_space<vmem>>) offsets(%dma_start3A_199 : memref<64xi32, #tpu.memory_space<vmem>>) semaphore(%dma_start3A_204 : memref<!tpu.dma_semaphore, #tpu.memory_space<semaphore_mem>>)
        %dma_start3A_205 = arith.constant 0 : i32
        %dma_start3A_206 = arith.constant 0 : i32
        %dma_start3A_207 = tpu.memref_slice %arg13[%select_n3A_182, %dma_start3A_205, %dma_start3A_206] : memref<3x64x128xf32, #tpu.memory_space<vmem>> -> memref<1x64x128xf32, #tpu.memory_space<vmem>>
        %dma_start3A_208 = tpu.memref_squeeze %dma_start3A_207 : memref<1x64x128xf32, #tpu.memory_space<vmem>> -> memref<64x128xf32, #tpu.memory_space<vmem>>
        %dma_start3A_209 = tpu.memref_slice %arg10[%mul3A_184] : memref<512xi32, #tpu.memory_space<vmem>> -> memref<64xi32, #tpu.memory_space<vmem>>
        %dma_start3A_210 = arith.constant 0 : i32
        %dma_start3A_211 = arith.constant 0 : i32
        %dma_start3A_212 = tpu.memref_slice %arg5[%dma_start3A_210, %dma_start3A_211] : memref<100000x128xf32, #tpu.memory_space<hbm>> -> memref<100000x128xf32, #tpu.memory_space<hbm>>
        %dma_start3A_213 = tpu.memref_slice %arg15[%select_n3A_182] : memref<3x!tpu.dma_semaphore, #tpu.memory_space<semaphore_mem>> -> memref<1x!tpu.dma_semaphore, #tpu.memory_space<semaphore_mem>>
        %dma_start3A_214 = tpu.memref_squeeze %dma_start3A_213 : memref<1x!tpu.dma_semaphore, #tpu.memory_space<semaphore_mem>> -> memref<!tpu.dma_semaphore, #tpu.memory_space<semaphore_mem>>
        tpu.enqueue_indirect_dma source(%dma_start3A_212 : memref<100000x128xf32, #tpu.memory_space<hbm>>) target(%dma_start3A_208 : memref<64x128xf32, #tpu.memory_space<vmem>>) offsets(%dma_start3A_209 : memref<64xi32, #tpu.memory_space<vmem>>) semaphore(%dma_start3A_214 : memref<!tpu.dma_semaphore, #tpu.memory_space<semaphore_mem>>)
      } else {
      }
      %parallel_loop3A = arith.constant 0 : i32
      %parallel_loop3A_161 = arith.constant 4 : i32
      %parallel_loop3A_162 = arith.constant 1 : i32
      scf.for %parallel_loop3A_163 = %parallel_loop3A to %parallel_loop3A_161 step %parallel_loop3A_162  : i32 {
        %parallel_loop3A_164 = arith.constant 0.000000e+00 : f32
        %parallel_loop3A_165 = vector.broadcast %parallel_loop3A_164 : f32 to vector<16xf32>
        %parallel_loop3A_166 = arith.constant 0 : i32
        %parallel_loop3A_167 = arith.constant 16 : i32
        %parallel_loop3A_168 = arith.constant 1 : i32
        %parallel_loop3A_169 = scf.for %parallel_loop3A_180 = %parallel_loop3A_166 to %parallel_loop3A_167 step %parallel_loop3A_168 iter_args(%parallel_loop3A_181 = %parallel_loop3A_165) -> (vector<16xf32>)  : i32 {
          %parallel_loop3A_182 = arith.constant 16 : i32
          %parallel_loop3A_183 = arith.muli %parallel_loop3A_163, %parallel_loop3A_182 : i32
          %parallel_loop3A_184 = arith.addi %parallel_loop3A_183, %parallel_loop3A_180 : i32
          %parallel_loop3A_185 = arith.constant 0.000000e+00 : f32
          %parallel_loop3A_186 = vector.broadcast %parallel_loop3A_185 : f32 to vector<16xf32>
          %parallel_loop3A_187 = arith.constant 0.000000e+00 : f32
          %parallel_loop3A_188 = vector.broadcast %parallel_loop3A_187 : f32 to vector<16xf32>
          %parallel_loop3A_189 = arith.constant 0 : i32
          %parallel_loop3A_190 = arith.constant 0 : i32
          %parallel_loop3A_191 = tpu.memref_slice %arg11[%select_n3A_123, %parallel_loop3A_189, %parallel_loop3A_190] : memref<3x64x128xf32, #tpu.memory_space<vmem>> -> memref<1x64x128xf32, #tpu.memory_space<vmem>>
          %parallel_loop3A_192 = tpu.memref_squeeze %parallel_loop3A_191 : memref<1x64x128xf32, #tpu.memory_space<vmem>> -> memref<64x128xf32, #tpu.memory_space<vmem>>
          %parallel_loop3A_193 = arith.index_cast %parallel_loop3A_184 : i32 to index
          %parallel_loop3A_194 = arith.constant 0 : index
          %parallel_loop3A_195 = tpu.vector_load %parallel_loop3A_192[%parallel_loop3A_193, %parallel_loop3A_194] {strides = array<i32>} : memref<64x128xf32, #tpu.memory_space<vmem>>, vector<16xf32>,
          %parallel_loop3A_196 = arith.constant 0 : i32
          %parallel_loop3A_197 = arith.constant 0 : i32
          %parallel_loop3A_198 = tpu.memref_slice %arg12[%select_n3A_123, %parallel_loop3A_196, %parallel_loop3A_197] : memref<3x64x128xf32, #tpu.memory_space<vmem>> -> memref<1x64x128xf32, #tpu.memory_space<vmem>>
          %parallel_loop3A_199 = tpu.memref_squeeze %parallel_loop3A_198 : memref<1x64x128xf32, #tpu.memory_space<vmem>> -> memref<64x128xf32, #tpu.memory_space<vmem>>
          %parallel_loop3A_200 = arith.index_cast %parallel_loop3A_184 : i32 to index
          %parallel_loop3A_201 = arith.constant 0 : index
          %parallel_loop3A_202 = tpu.vector_load %parallel_loop3A_199[%parallel_loop3A_200, %parallel_loop3A_201] {strides = array<i32>} : memref<64x128xf32, #tpu.memory_space<vmem>>, vector<16xf32>,
          %parallel_loop3A_203 = arith.constant 0 : i32
          %parallel_loop3A_204 = arith.constant 0 : i32
          %parallel_loop3A_205 = tpu.memref_slice %arg13[%select_n3A_123, %parallel_loop3A_203, %parallel_loop3A_204] : memref<3x64x128xf32, #tpu.memory_space<vmem>> -> memref<1x64x128xf32, #tpu.memory_space<vmem>>
          %parallel_loop3A_206 = tpu.memref_squeeze %parallel_loop3A_205 : memref<1x64x128xf32, #tpu.memory_space<vmem>> -> memref<64x128xf32, #tpu.memory_space<vmem>>
          %parallel_loop3A_207 = arith.index_cast %parallel_loop3A_184 : i32 to index
          %parallel_loop3A_208 = arith.constant 0 : index
          %parallel_loop3A_209 = tpu.vector_load %parallel_loop3A_206[%parallel_loop3A_207, %parallel_loop3A_208] {strides = array<i32>} : memref<64x128xf32, #tpu.memory_space<vmem>>, vector<16xf32>,
          %parallel_loop3A_210 = arith.addf %parallel_loop3A_195, %parallel_loop3A_202 : vector<16xf32>
          %parallel_loop3A_211 = arith.subf %parallel_loop3A_210, %parallel_loop3A_209 : vector<16xf32>
          %parallel_loop3A_212 = math.absf %parallel_loop3A_211 : vector<16xf32>
          %parallel_loop3A_213 = arith.addf %parallel_loop3A_186, %parallel_loop3A_212 : vector<16xf32>
          %parallel_loop3A_214 = arith.constant 0 : i32
          %parallel_loop3A_215 = arith.constant 0 : i32
          %parallel_loop3A_216 = tpu.memref_slice %arg11[%select_n3A_123, %parallel_loop3A_214, %parallel_loop3A_215] : memref<3x64x128xf32, #tpu.memory_space<vmem>> -> memref<1x64x128xf32, #tpu.memory_space<vmem>>
          %parallel_loop3A_217 = tpu.memref_squeeze %parallel_loop3A_216 : memref<1x64x128xf32, #tpu.memory_space<vmem>> -> memref<64x128xf32, #tpu.memory_space<vmem>>
          %parallel_loop3A_218 = arith.index_cast %parallel_loop3A_184 : i32 to index
          %parallel_loop3A_219 = arith.constant 16 : index
          %parallel_loop3A_220 = tpu.vector_load %parallel_loop3A_217[%parallel_loop3A_218, %parallel_loop3A_219] {strides = array<i32>} : memref<64x128xf32, #tpu.memory_space<vmem>>, vector<16xf32>,
          %parallel_loop3A_221 = arith.constant 0 : i32
          %parallel_loop3A_222 = arith.constant 0 : i32
          %parallel_loop3A_223 = tpu.memref_slice %arg12[%select_n3A_123, %parallel_loop3A_221, %parallel_loop3A_222] : memref<3x64x128xf32, #tpu.memory_space<vmem>> -> memref<1x64x128xf32, #tpu.memory_space<vmem>>
          %parallel_loop3A_224 = tpu.memref_squeeze %parallel_loop3A_223 : memref<1x64x128xf32, #tpu.memory_space<vmem>> -> memref<64x128xf32, #tpu.memory_space<vmem>>
          %parallel_loop3A_225 = arith.index_cast %parallel_loop3A_184 : i32 to index
          %parallel_loop3A_226 = arith.constant 16 : index
          %parallel_loop3A_227 = tpu.vector_load %parallel_loop3A_224[%parallel_loop3A_225, %parallel_loop3A_226] {strides = array<i32>} : memref<64x128xf32, #tpu.memory_space<vmem>>, vector<16xf32>,
          %parallel_loop3A_228 = arith.constant 0 : i32
          %parallel_loop3A_229 = arith.constant 0 : i32
          %parallel_loop3A_230 = tpu.memref_slice %arg13[%select_n3A_123, %parallel_loop3A_228, %parallel_loop3A_229] : memref<3x64x128xf32, #tpu.memory_space<vmem>> -> memref<1x64x128xf32, #tpu.memory_space<vmem>>
          %parallel_loop3A_231 = tpu.memref_squeeze %parallel_loop3A_230 : memref<1x64x128xf32, #tpu.memory_space<vmem>> -> memref<64x128xf32, #tpu.memory_space<vmem>>
          %parallel_loop3A_232 = arith.index_cast %parallel_loop3A_184 : i32 to index
          %parallel_loop3A_233 = arith.constant 16 : index
          %parallel_loop3A_234 = tpu.vector_load %parallel_loop3A_231[%parallel_loop3A_232, %parallel_loop3A_233] {strides = array<i32>} : memref<64x128xf32, #tpu.memory_space<vmem>>, vector<16xf32>,
          %parallel_loop3A_235 = arith.addf %parallel_loop3A_220, %parallel_loop3A_227 : vector<16xf32>
          %parallel_loop3A_236 = arith.subf %parallel_loop3A_235, %parallel_loop3A_234 : vector<16xf32>
          %parallel_loop3A_237 = math.absf %parallel_loop3A_236 : vector<16xf32>
          %parallel_loop3A_238 = arith.addf %parallel_loop3A_188, %parallel_loop3A_237 : vector<16xf32>
          %parallel_loop3A_239 = arith.constant 0 : i32
          %parallel_loop3A_240 = arith.constant 0 : i32
          %parallel_loop3A_241 = tpu.memref_slice %arg11[%select_n3A_123, %parallel_loop3A_239, %parallel_loop3A_240] : memref<3x64x128xf32, #tpu.memory_space<vmem>> -> memref<1x64x128xf32, #tpu.memory_space<vmem>>
          %parallel_loop3A_242 = tpu.memref_squeeze %parallel_loop3A_241 : memref<1x64x128xf32, #tpu.memory_space<vmem>> -> memref<64x128xf32, #tpu.memory_space<vmem>>
          %parallel_loop3A_243 = arith.index_cast %parallel_loop3A_184 : i32 to index
          %parallel_loop3A_244 = arith.constant 32 : index
          %parallel_loop3A_245 = tpu.vector_load %parallel_loop3A_242[%parallel_loop3A_243, %parallel_loop3A_244] {strides = array<i32>} : memref<64x128xf32, #tpu.memory_space<vmem>>, vector<16xf32>,
          %parallel_loop3A_246 = arith.constant 0 : i32
          %parallel_loop3A_247 = arith.constant 0 : i32
          %parallel_loop3A_248 = tpu.memref_slice %arg12[%select_n3A_123, %parallel_loop3A_246, %parallel_loop3A_247] : memref<3x64x128xf32, #tpu.memory_space<vmem>> -> memref<1x64x128xf32, #tpu.memory_space<vmem>>
          %parallel_loop3A_249 = tpu.memref_squeeze %parallel_loop3A_248 : memref<1x64x128xf32, #tpu.memory_space<vmem>> -> memref<64x128xf32, #tpu.memory_space<vmem>>
          %parallel_loop3A_250 = arith.index_cast %parallel_loop3A_184 : i32 to index
          %parallel_loop3A_251 = arith.constant 32 : index
          %parallel_loop3A_252 = tpu.vector_load %parallel_loop3A_249[%parallel_loop3A_250, %parallel_loop3A_251] {strides = array<i32>} : memref<64x128xf32, #tpu.memory_space<vmem>>, vector<16xf32>,
          %parallel_loop3A_253 = arith.constant 0 : i32
          %parallel_loop3A_254 = arith.constant 0 : i32
          %parallel_loop3A_255 = tpu.memref_slice %arg13[%select_n3A_123, %parallel_loop3A_253, %parallel_loop3A_254] : memref<3x64x128xf32, #tpu.memory_space<vmem>> -> memref<1x64x128xf32, #tpu.memory_space<vmem>>
          %parallel_loop3A_256 = tpu.memref_squeeze %parallel_loop3A_255 : memref<1x64x128xf32, #tpu.memory_space<vmem>> -> memref<64x128xf32, #tpu.memory_space<vmem>>
          %parallel_loop3A_257 = arith.index_cast %parallel_loop3A_184 : i32 to index
          %parallel_loop3A_258 = arith.constant 32 : index
          %parallel_loop3A_259 = tpu.vector_load %parallel_loop3A_256[%parallel_loop3A_257, %parallel_loop3A_258] {strides = array<i32>} : memref<64x128xf32, #tpu.memory_space<vmem>>, vector<16xf32>,
          %parallel_loop3A_260 = arith.addf %parallel_loop3A_245, %parallel_loop3A_252 : vector<16xf32>
          %parallel_loop3A_261 = arith.subf %parallel_loop3A_260, %parallel_loop3A_259 : vector<16xf32>
          %parallel_loop3A_262 = math.absf %parallel_loop3A_261 : vector<16xf32>
          %parallel_loop3A_263 = arith.addf %parallel_loop3A_213, %parallel_loop3A_262 : vector<16xf32>
          %parallel_loop3A_264 = arith.constant 0 : i32
          %parallel_loop3A_265 = arith.constant 0 : i32
          %parallel_loop3A_266 = tpu.memref_slice %arg11[%select_n3A_123, %parallel_loop3A_264, %parallel_loop3A_265] : memref<3x64x128xf32, #tpu.memory_space<vmem>> -> memref<1x64x128xf32, #tpu.memory_space<vmem>>
          %parallel_loop3A_267 = tpu.memref_squeeze %parallel_loop3A_266 : memref<1x64x128xf32, #tpu.memory_space<vmem>> -> memref<64x128xf32, #tpu.memory_space<vmem>>
          %parallel_loop3A_268 = arith.index_cast %parallel_loop3A_184 : i32 to index
          %parallel_loop3A_269 = arith.constant 48 : index
          %parallel_loop3A_270 = tpu.vector_load %parallel_loop3A_267[%parallel_loop3A_268, %parallel_loop3A_269] {strides = array<i32>} : memref<64x128xf32, #tpu.memory_space<vmem>>, vector<16xf32>,
          %parallel_loop3A_271 = arith.constant 0 : i32
          %parallel_loop3A_272 = arith.constant 0 : i32
          %parallel_loop3A_273 = tpu.memref_slice %arg12[%select_n3A_123, %parallel_loop3A_271, %parallel_loop3A_272] : memref<3x64x128xf32, #tpu.memory_space<vmem>> -> memref<1x64x128xf32, #tpu.memory_space<vmem>>
          %parallel_loop3A_274 = tpu.memref_squeeze %parallel_loop3A_273 : memref<1x64x128xf32, #tpu.memory_space<vmem>> -> memref<64x128xf32, #tpu.memory_space<vmem>>
          %parallel_loop3A_275 = arith.index_cast %parallel_loop3A_184 : i32 to index
          %parallel_loop3A_276 = arith.constant 48 : index
          %parallel_loop3A_277 = tpu.vector_load %parallel_loop3A_274[%parallel_loop3A_275, %parallel_loop3A_276] {strides = array<i32>} : memref<64x128xf32, #tpu.memory_space<vmem>>, vector<16xf32>,
          %parallel_loop3A_278 = arith.constant 0 : i32
          %parallel_loop3A_279 = arith.constant 0 : i32
          %parallel_loop3A_280 = tpu.memref_slice %arg13[%select_n3A_123, %parallel_loop3A_278, %parallel_loop3A_279] : memref<3x64x128xf32, #tpu.memory_space<vmem>> -> memref<1x64x128xf32, #tpu.memory_space<vmem>>
          %parallel_loop3A_281 = tpu.memref_squeeze %parallel_loop3A_280 : memref<1x64x128xf32, #tpu.memory_space<vmem>> -> memref<64x128xf32, #tpu.memory_space<vmem>>
          %parallel_loop3A_282 = arith.index_cast %parallel_loop3A_184 : i32 to index
          %parallel_loop3A_283 = arith.constant 48 : index
          %parallel_loop3A_284 = tpu.vector_load %parallel_loop3A_281[%parallel_loop3A_282, %parallel_loop3A_283] {strides = array<i32>} : memref<64x128xf32, #tpu.memory_space<vmem>>, vector<16xf32>,
          %parallel_loop3A_285 = arith.addf %parallel_loop3A_270, %parallel_loop3A_277 : vector<16xf32>
          %parallel_loop3A_286 = arith.subf %parallel_loop3A_285, %parallel_loop3A_284 : vector<16xf32>
          %parallel_loop3A_287 = math.absf %parallel_loop3A_286 : vector<16xf32>
          %parallel_loop3A_288 = arith.addf %parallel_loop3A_238, %parallel_loop3A_287 : vector<16xf32>
          %parallel_loop3A_289 = arith.constant 0 : i32
          %parallel_loop3A_290 = arith.constant 0 : i32
          %parallel_loop3A_291 = tpu.memref_slice %arg11[%select_n3A_123, %parallel_loop3A_289, %parallel_loop3A_290] : memref<3x64x128xf32, #tpu.memory_space<vmem>> -> memref<1x64x128xf32, #tpu.memory_space<vmem>>
          %parallel_loop3A_292 = tpu.memref_squeeze %parallel_loop3A_291 : memref<1x64x128xf32, #tpu.memory_space<vmem>> -> memref<64x128xf32, #tpu.memory_space<vmem>>
          %parallel_loop3A_293 = arith.index_cast %parallel_loop3A_184 : i32 to index
          %parallel_loop3A_294 = arith.constant 64 : index
          %parallel_loop3A_295 = tpu.vector_load %parallel_loop3A_292[%parallel_loop3A_293, %parallel_loop3A_294] {strides = array<i32>} : memref<64x128xf32, #tpu.memory_space<vmem>>, vector<16xf32>,
          %parallel_loop3A_296 = arith.constant 0 : i32
          %parallel_loop3A_297 = arith.constant 0 : i32
          %parallel_loop3A_298 = tpu.memref_slice %arg12[%select_n3A_123, %parallel_loop3A_296, %parallel_loop3A_297] : memref<3x64x128xf32, #tpu.memory_space<vmem>> -> memref<1x64x128xf32, #tpu.memory_space<vmem>>
          %parallel_loop3A_299 = tpu.memref_squeeze %parallel_loop3A_298 : memref<1x64x128xf32, #tpu.memory_space<vmem>> -> memref<64x128xf32, #tpu.memory_space<vmem>>
          %parallel_loop3A_300 = arith.index_cast %parallel_loop3A_184 : i32 to index
          %parallel_loop3A_301 = arith.constant 64 : index
          %parallel_loop3A_302 = tpu.vector_load %parallel_loop3A_299[%parallel_loop3A_300, %parallel_loop3A_301] {strides = array<i32>} : memref<64x128xf32, #tpu.memory_space<vmem>>, vector<16xf32>,
          %parallel_loop3A_303 = arith.constant 0 : i32
          %parallel_loop3A_304 = arith.constant 0 : i32
          %parallel_loop3A_305 = tpu.memref_slice %arg13[%select_n3A_123, %parallel_loop3A_303, %parallel_loop3A_304] : memref<3x64x128xf32, #tpu.memory_space<vmem>> -> memref<1x64x128xf32, #tpu.memory_space<vmem>>
          %parallel_loop3A_306 = tpu.memref_squeeze %parallel_loop3A_305 : memref<1x64x128xf32, #tpu.memory_space<vmem>> -> memref<64x128xf32, #tpu.memory_space<vmem>>
          %parallel_loop3A_307 = arith.index_cast %parallel_loop3A_184 : i32 to index
          %parallel_loop3A_308 = arith.constant 64 : index
          %parallel_loop3A_309 = tpu.vector_load %parallel_loop3A_306[%parallel_loop3A_307, %parallel_loop3A_308] {strides = array<i32>} : memref<64x128xf32, #tpu.memory_space<vmem>>, vector<16xf32>,
          %parallel_loop3A_310 = arith.addf %parallel_loop3A_295, %parallel_loop3A_302 : vector<16xf32>
          %parallel_loop3A_311 = arith.subf %parallel_loop3A_310, %parallel_loop3A_309 : vector<16xf32>
          %parallel_loop3A_312 = math.absf %parallel_loop3A_311 : vector<16xf32>
          %parallel_loop3A_313 = arith.addf %parallel_loop3A_263, %parallel_loop3A_312 : vector<16xf32>
          %parallel_loop3A_314 = arith.constant 0 : i32
          %parallel_loop3A_315 = arith.constant 0 : i32
          %parallel_loop3A_316 = tpu.memref_slice %arg11[%select_n3A_123, %parallel_loop3A_314, %parallel_loop3A_315] : memref<3x64x128xf32, #tpu.memory_space<vmem>> -> memref<1x64x128xf32, #tpu.memory_space<vmem>>
          %parallel_loop3A_317 = tpu.memref_squeeze %parallel_loop3A_316 : memref<1x64x128xf32, #tpu.memory_space<vmem>> -> memref<64x128xf32, #tpu.memory_space<vmem>>
          %parallel_loop3A_318 = arith.index_cast %parallel_loop3A_184 : i32 to index
          %parallel_loop3A_319 = arith.constant 80 : index
          %parallel_loop3A_320 = tpu.vector_load %parallel_loop3A_317[%parallel_loop3A_318, %parallel_loop3A_319] {strides = array<i32>} : memref<64x128xf32, #tpu.memory_space<vmem>>, vector<16xf32>,
          %parallel_loop3A_321 = arith.constant 0 : i32
          %parallel_loop3A_322 = arith.constant 0 : i32
          %parallel_loop3A_323 = tpu.memref_slice %arg12[%select_n3A_123, %parallel_loop3A_321, %parallel_loop3A_322] : memref<3x64x128xf32, #tpu.memory_space<vmem>> -> memref<1x64x128xf32, #tpu.memory_space<vmem>>
          %parallel_loop3A_324 = tpu.memref_squeeze %parallel_loop3A_323 : memref<1x64x128xf32, #tpu.memory_space<vmem>> -> memref<64x128xf32, #tpu.memory_space<vmem>>
          %parallel_loop3A_325 = arith.index_cast %parallel_loop3A_184 : i32 to index
          %parallel_loop3A_326 = arith.constant 80 : index
          %parallel_loop3A_327 = tpu.vector_load %parallel_loop3A_324[%parallel_loop3A_325, %parallel_loop3A_326] {strides = array<i32>} : memref<64x128xf32, #tpu.memory_space<vmem>>, vector<16xf32>,
          %parallel_loop3A_328 = arith.constant 0 : i32
          %parallel_loop3A_329 = arith.constant 0 : i32
          %parallel_loop3A_330 = tpu.memref_slice %arg13[%select_n3A_123, %parallel_loop3A_328, %parallel_loop3A_329] : memref<3x64x128xf32, #tpu.memory_space<vmem>> -> memref<1x64x128xf32, #tpu.memory_space<vmem>>
          %parallel_loop3A_331 = tpu.memref_squeeze %parallel_loop3A_330 : memref<1x64x128xf32, #tpu.memory_space<vmem>> -> memref<64x128xf32, #tpu.memory_space<vmem>>
          %parallel_loop3A_332 = arith.index_cast %parallel_loop3A_184 : i32 to index
          %parallel_loop3A_333 = arith.constant 80 : index
          %parallel_loop3A_334 = tpu.vector_load %parallel_loop3A_331[%parallel_loop3A_332, %parallel_loop3A_333] {strides = array<i32>} : memref<64x128xf32, #tpu.memory_space<vmem>>, vector<16xf32>,
          %parallel_loop3A_335 = arith.addf %parallel_loop3A_320, %parallel_loop3A_327 : vector<16xf32>
          %parallel_loop3A_336 = arith.subf %parallel_loop3A_335, %parallel_loop3A_334 : vector<16xf32>
          %parallel_loop3A_337 = math.absf %parallel_loop3A_336 : vector<16xf32>
          %parallel_loop3A_338 = arith.addf %parallel_loop3A_288, %parallel_loop3A_337 : vector<16xf32>
          %parallel_loop3A_339 = arith.constant 0 : i32
          %parallel_loop3A_340 = arith.constant 0 : i32
          %parallel_loop3A_341 = tpu.memref_slice %arg11[%select_n3A_123, %parallel_loop3A_339, %parallel_loop3A_340] : memref<3x64x128xf32, #tpu.memory_space<vmem>> -> memref<1x64x128xf32, #tpu.memory_space<vmem>>
          %parallel_loop3A_342 = tpu.memref_squeeze %parallel_loop3A_341 : memref<1x64x128xf32, #tpu.memory_space<vmem>> -> memref<64x128xf32, #tpu.memory_space<vmem>>
          %parallel_loop3A_343 = arith.index_cast %parallel_loop3A_184 : i32 to index
          %parallel_loop3A_344 = arith.constant 96 : index
          %parallel_loop3A_345 = tpu.vector_load %parallel_loop3A_342[%parallel_loop3A_343, %parallel_loop3A_344] {strides = array<i32>} : memref<64x128xf32, #tpu.memory_space<vmem>>, vector<16xf32>,
          %parallel_loop3A_346 = arith.constant 0 : i32
          %parallel_loop3A_347 = arith.constant 0 : i32
          %parallel_loop3A_348 = tpu.memref_slice %arg12[%select_n3A_123, %parallel_loop3A_346, %parallel_loop3A_347] : memref<3x64x128xf32, #tpu.memory_space<vmem>> -> memref<1x64x128xf32, #tpu.memory_space<vmem>>
          %parallel_loop3A_349 = tpu.memref_squeeze %parallel_loop3A_348 : memref<1x64x128xf32, #tpu.memory_space<vmem>> -> memref<64x128xf32, #tpu.memory_space<vmem>>
          %parallel_loop3A_350 = arith.index_cast %parallel_loop3A_184 : i32 to index
          %parallel_loop3A_351 = arith.constant 96 : index
          %parallel_loop3A_352 = tpu.vector_load %parallel_loop3A_349[%parallel_loop3A_350, %parallel_loop3A_351] {strides = array<i32>} : memref<64x128xf32, #tpu.memory_space<vmem>>, vector<16xf32>,
          %parallel_loop3A_353 = arith.constant 0 : i32
          %parallel_loop3A_354 = arith.constant 0 : i32
          %parallel_loop3A_355 = tpu.memref_slice %arg13[%select_n3A_123, %parallel_loop3A_353, %parallel_loop3A_354] : memref<3x64x128xf32, #tpu.memory_space<vmem>> -> memref<1x64x128xf32, #tpu.memory_space<vmem>>
          %parallel_loop3A_356 = tpu.memref_squeeze %parallel_loop3A_355 : memref<1x64x128xf32, #tpu.memory_space<vmem>> -> memref<64x128xf32, #tpu.memory_space<vmem>>
          %parallel_loop3A_357 = arith.index_cast %parallel_loop3A_184 : i32 to index
          %parallel_loop3A_358 = arith.constant 96 : index
          %parallel_loop3A_359 = tpu.vector_load %parallel_loop3A_356[%parallel_loop3A_357, %parallel_loop3A_358] {strides = array<i32>} : memref<64x128xf32, #tpu.memory_space<vmem>>, vector<16xf32>,
          %parallel_loop3A_360 = arith.addf %parallel_loop3A_345, %parallel_loop3A_352 : vector<16xf32>
          %parallel_loop3A_361 = arith.subf %parallel_loop3A_360, %parallel_loop3A_359 : vector<16xf32>
          %parallel_loop3A_362 = math.absf %parallel_loop3A_361 : vector<16xf32>
          %parallel_loop3A_363 = arith.addf %parallel_loop3A_313, %parallel_loop3A_362 : vector<16xf32>
          %parallel_loop3A_364 = arith.constant 0 : i32
          %parallel_loop3A_365 = arith.constant 0 : i32
          %parallel_loop3A_366 = tpu.memref_slice %arg11[%select_n3A_123, %parallel_loop3A_364, %parallel_loop3A_365] : memref<3x64x128xf32, #tpu.memory_space<vmem>> -> memref<1x64x128xf32, #tpu.memory_space<vmem>>
          %parallel_loop3A_367 = tpu.memref_squeeze %parallel_loop3A_366 : memref<1x64x128xf32, #tpu.memory_space<vmem>> -> memref<64x128xf32, #tpu.memory_space<vmem>>
          %parallel_loop3A_368 = arith.index_cast %parallel_loop3A_184 : i32 to index
          %parallel_loop3A_369 = arith.constant 112 : index
          %parallel_loop3A_370 = tpu.vector_load %parallel_loop3A_367[%parallel_loop3A_368, %parallel_loop3A_369] {strides = array<i32>} : memref<64x128xf32, #tpu.memory_space<vmem>>, vector<16xf32>,
          %parallel_loop3A_371 = arith.constant 0 : i32
          %parallel_loop3A_372 = arith.constant 0 : i32
          %parallel_loop3A_373 = tpu.memref_slice %arg12[%select_n3A_123, %parallel_loop3A_371, %parallel_loop3A_372] : memref<3x64x128xf32, #tpu.memory_space<vmem>> -> memref<1x64x128xf32, #tpu.memory_space<vmem>>
          %parallel_loop3A_374 = tpu.memref_squeeze %parallel_loop3A_373 : memref<1x64x128xf32, #tpu.memory_space<vmem>> -> memref<64x128xf32, #tpu.memory_space<vmem>>
          %parallel_loop3A_375 = arith.index_cast %parallel_loop3A_184 : i32 to index
          %parallel_loop3A_376 = arith.constant 112 : index
          %parallel_loop3A_377 = tpu.vector_load %parallel_loop3A_374[%parallel_loop3A_375, %parallel_loop3A_376] {strides = array<i32>} : memref<64x128xf32, #tpu.memory_space<vmem>>, vector<16xf32>,
          %parallel_loop3A_378 = arith.constant 0 : i32
          %parallel_loop3A_379 = arith.constant 0 : i32
          %parallel_loop3A_380 = tpu.memref_slice %arg13[%select_n3A_123, %parallel_loop3A_378, %parallel_loop3A_379] : memref<3x64x128xf32, #tpu.memory_space<vmem>> -> memref<1x64x128xf32, #tpu.memory_space<vmem>>
          %parallel_loop3A_381 = tpu.memref_squeeze %parallel_loop3A_380 : memref<1x64x128xf32, #tpu.memory_space<vmem>> -> memref<64x128xf32, #tpu.memory_space<vmem>>
          %parallel_loop3A_382 = arith.index_cast %parallel_loop3A_184 : i32 to index
          %parallel_loop3A_383 = arith.constant 112 : index
          %parallel_loop3A_384 = tpu.vector_load %parallel_loop3A_381[%parallel_loop3A_382, %parallel_loop3A_383] {strides = array<i32>} : memref<64x128xf32, #tpu.memory_space<vmem>>, vector<16xf32>,
          %parallel_loop3A_385 = arith.addf %parallel_loop3A_370, %parallel_loop3A_377 : vector<16xf32>
          %parallel_loop3A_386 = arith.subf %parallel_loop3A_385, %parallel_loop3A_384 : vector<16xf32>
          %parallel_loop3A_387 = math.absf %parallel_loop3A_386 : vector<16xf32>
          %parallel_loop3A_388 = arith.addf %parallel_loop3A_338, %parallel_loop3A_387 : vector<16xf32>
          %parallel_loop3A_389 = arith.addf %parallel_loop3A_363, %parallel_loop3A_388 : vector<16xf32>
          %parallel_loop3A_390 = arith.constant true
          %parallel_loop3A_391 = vector.broadcast %parallel_loop3A_390 : i1 to vector<16xi1>
          %parallel_loop3A_392 = tpu.scan <sum>, %parallel_loop3A_389 masked %parallel_loop3A_391 : vector<16xf32>, vector<16xi1> -> vector<16xf32>
          %parallel_loop3A_393 = vector.extract %parallel_loop3A_392[15] : f32 from vector<16xf32>
          %parallel_loop3A_394 = vector.broadcast %parallel_loop3A_180 : i32 to vector<16xi32>
          %parallel_loop3A_395 = arith.cmpi eq, %iota3A, %parallel_loop3A_394 : vector<16xi32>
          %parallel_loop3A_396 = arith.constant 0.000000e+00 : f32
          %parallel_loop3A_397 = vector.broadcast %parallel_loop3A_393 : f32 to vector<16xf32>
          %parallel_loop3A_398 = vector.broadcast %parallel_loop3A_396 : f32 to vector<16xf32>
          %parallel_loop3A_399 = arith.select %parallel_loop3A_395, %parallel_loop3A_397, %parallel_loop3A_398 : vector<16xi1>, vector<16xf32>
          %parallel_loop3A_400 = arith.addf %parallel_loop3A_181, %parallel_loop3A_399 : vector<16xf32>
          scf.yield %parallel_loop3A_400 : vector<16xf32>
        } {sc.loop_unroll_factor = 2 : i64, sc.parallel_access}
        %parallel_loop3A_170 = arith.constant 1.200000e+01 : f32
        %parallel_loop3A_171 = vector.broadcast %parallel_loop3A_170 : f32 to vector<16xf32>
        %parallel_loop3A_172 = arith.subf %parallel_loop3A_171, %parallel_loop3A_169 : vector<16xf32>
        %parallel_loop3A_173 = arith.constant 64 : i32
        %parallel_loop3A_174 = arith.muli %scan3A_114, %parallel_loop3A_173 : i32
        %parallel_loop3A_175 = arith.constant 16 : i32
        %parallel_loop3A_176 = arith.muli %parallel_loop3A_163, %parallel_loop3A_175 : i32
        %parallel_loop3A_177 = arith.addi %parallel_loop3A_174, %parallel_loop3A_176 : i32
        %parallel_loop3A_178 = arith.index_cast %parallel_loop3A_177 : i32 to index
        %parallel_loop3A_179 = tpu.vector_load %arg14[%parallel_loop3A_178] {strides = array<i32>} : memref<512xf32, #tpu.memory_space<vmem>>, vector<16xf32>,
        tpu.vector_store %arg14[%parallel_loop3A_178], %parallel_loop3A_172 {strides = array<i32>} : memref<512xf32, #tpu.memory_space<vmem>>, vector<16xf32>,
      } {sc.loop_unroll_factor = 1 : i64, sc.parallel_access}
    }
    %scan3A_113 = arith.constant 8 : i32
    "tpu.region"() ({
      %run_scoped3A = tpu.sem_alloc : memref<!tpu.dma_semaphore, #tpu.memory_space<semaphore_mem>>
      %dma_start3A_114 = tpu.memref_slice %arg7[%mul3A_2] : memref<16384xf32, #tpu.memory_space<hbm>> -> memref<512xf32, #tpu.memory_space<hbm>>
      %dma_start3A_115 = tpu.memref_slice %arg7[%mul3A_2] : memref<16384xf32, #tpu.memory_space<hbm>> -> memref<512xf32, #tpu.memory_space<hbm>>
      tpu.enqueue_dma source(%arg14 : memref<512xf32, #tpu.memory_space<vmem>>) target(%dma_start3A_115 : memref<512xf32, #tpu.memory_space<hbm>>) target_semaphore(%run_scoped3A : memref<!tpu.dma_semaphore, #tpu.memory_space<semaphore_mem>>)
      %dma_wait3A_116 = tpu.memref_slice %arg7[%mul3A_2] : memref<16384xf32, #tpu.memory_space<hbm>> -> memref<512xf32, #tpu.memory_space<hbm>>
      %dma_wait3A_117 = tpu.memref_slice %arg7[%mul3A_2] : memref<16384xf32, #tpu.memory_space<hbm>> -> memref<512xf32, #tpu.memory_space<hbm>>
      tpu.wait_dma2 semaphore(%run_scoped3A : memref<!tpu.dma_semaphore, #tpu.memory_space<semaphore_mem>>) src(%arg14 : memref<512xf32, #tpu.memory_space<vmem>>) dst(%dma_wait3A_117 : memref<512xf32, #tpu.memory_space<hbm>>)
      tpu.yield
    }) : () -> ()
    return
  }
}

</mosaic_0001>

<sc_bundles>
// kernel: kernel.3.cloned.1.call-start
scs
__scs_entry_jumppad:
0x0: {  	(pc) =	sbr.rel $0x88, $3  }
0x1: {  	(tag) =	ssettag $0x0;
	lr =	simm.s32 $0x1  }
0x2: {  	[smem:$0x3F9E] =	sst lr;
	_ =	strace $0xD0000000  }
0x3: {  	_ = 	snop  }
0x4: {  	_ = 	snop  }
0x5: {  	_ = 	snop  }
0x6: {  	_ = 	snop  }
0x7: {  	_ = 	snop  }
__scs_overlays_trampoline_lowered:
0x8: {  	[smem:$0x3FAD] =	sst s0  }
0x9: {  	[smem:$0x3FAE] =	sst s1  }
0xa: {  	[smem:$0x3FAF] =	sst s2  }
0xb: {  	[smem:$0x3FB0] =	sst s3  }
0xc: {  	[smem:$0x3FB1] =	sst s4  }
0xd: {  	[smem:$0x3FB2] =	sst s5  }
0xe: {  	[smem:$0x3FB3] =	sst s6  }
0xf: {  	[smem:$0x3FB4] =	sst s7  }
0x10: {  	[smem:$0x3FB5] =	sst s8  }
0x11: {  	[smem:$0x3FB6] =	sst s9;
	s0 =	simm.s32 @!p0 $0x0  }
0x12: {  	s1 =	sld [smem:$0x3F9C];
	s0 =	simm.s32 @p0 $0x1  }
0x13: {  	[smem:$0x3FB7] =	sst s0;
	s0 =	simm.s32 @!p1 $0x0  }
0x14: {  	s2 =	sld [smem:$0x3F9B];
	s0 =	simm.s32 @p1 $0x1  }
0x15: {  	[smem:$0x3FB8] =	sst s0;
	s0 =	simm.s32 @!p2 $0x0  }
0x16: {  	s3 =	sld [smem:$0x3FDB];
	s0 =	simm.s32 @p2 $0x1  }
0x17: {  	s4 =	simm.s32 $0x1BF5;
	[smem:$0x3FBA] =	sst s0  }
0x18: {  	s0 =	sld [smem:$0x3F9D];
	_ =	swait.ge [sflag:s4], $0x0  }
0x19: {  	s7 =	sld [smem:$0x3F9E]  }
0x1a: {  	s8 =	sadd.s32 $0xFFFFE003, lr  }
0x1b: {  	s9 =	sadd.s32 $0xFFFFFEF7, lr;
	s5 =	simm.s32 $0xFFFFFFFF;
	p2 =	slt.u32 s8, $0xFFFFF086  }
0x1c: {  	p1 =	slt.u32 s9, $0xF7A;
	s5 =	simm.s32 @!p2 $0x0  }
0x1d: {  	s5 =	simm.s32 @p1 $0x1;
	p0 =	seq.s32 s7, s2  }
0x1e: {  	s7 =	smul.u32 @!p0 $0xF7A, s2;
	p2 =	seq.s32 @!p0 s5, $0x0  }
0x1f: {  	s9 =	smul.u32 $0xF7A, s1;
	s8 =	simm.s32 @!p0 $0x1BF5;
	p2 =	por !p2, p0  }
0x20: {  	[sflag:s8] =	ssyncset.s32 @!p0 $0xFFFFF086;
	s6 =	sadd.s32 @!p0 s3, s7;
	s7 =	simm.s32 @!p0 $0x108  }
0x21: {  	s3 =	sadd.s32 s3, s9;
	s6 =	sadd.s32 @!p0 $0x88, s6;
	s7 =	simm.s32 @p2 $0x1082  }
0x22: {  	[simem:s7], [sflag:s8] =	dma.local @!p0 [hbm:s6], $0xF7A  }
0x23: {  	s9 =	sor.u32 $0xD0000000, s2;
	s6 =	simm.s32 $0x108;
	_ =	swait.ge @!p0 [sflag:s8], $0x0  }
0x24: {  	s3 =	sadd.s32 $0x88, s3;
	s6 =	simm.s32 @!p1 $0x1082;
	[sflag:s4] =	ssyncset.s32 $0xFFFFF086  }
0x25: {  	[simem:s6], [sflag:s4] =	dma.local [hbm:s3], $0xF7A  }
0x26: {  	[smem:$0x3F9E] =	sst s1;
	(tag) =	ssettag s2;
	_ =	strace s9  }
0x27: {  	s1 =	sld [smem:$0x3FAE]  }
0x28: {  	s2 =	sld [smem:$0x3FAF]  }
0x29: {  	s4 =	sld [smem:$0x3FB1]  }
0x2a: {  	p0 =	seq.s32 s5, $0x0;
	s5 =	sld [smem:$0x3FB2]  }
0x2b: {  	s6 =	sld [smem:$0x3FB3]  }
0x2c: {  	s7 =	sld [smem:$0x3FB4]  }
0x2d: {  	s3 =	simm.s32 $0x108;
	s8 =	sld [smem:$0x3FB5]  }
0x2e: {  	s3 =	simm.s32 @!p0 $0x1082;
	s9 =	sld [smem:$0x3FB6]  }
0x2f: {  	lr =	sadd.s32 s0, s3;
	s0 =	sld [smem:$0x3FAD]  }
0x30: {  	s3 =	sld [smem:$0x3FB0]  }
0x31: {  	[smem:$0x3FB9] =	sst s10  }
0x32: {  	s10 =	sld [smem:$0x3FB7];
	_ =	sdelay $0x3  }
0x33: {  	p0 =	seq.s32 s10, $0x1;
	s10 =	sld [smem:$0x3FB9];
	_ =	sdelay $0x3  }
0x34: {  	[smem:$0x3FB9] =	sst s10  }
0x35: {  	s10 =	sld [smem:$0x3FB8];
	_ =	sdelay $0x3  }
0x36: {  	p1 =	seq.s32 s10, $0x1;
	s10 =	sld [smem:$0x3FB9];
	_ =	sdelay $0x3  }
0x37: {  	[smem:$0x3FB9] =	sst s10  }
0x38: {  	s10 =	sld [smem:$0x3FBA]  }
0x39: {  	_ = 	snop;
	(pc) =	sbr.ind lr, $3  }
0x3a: {  	_ = 	snop  }
0x3b: {  	_ = 	snop  }
0x3c: {  	p2 =	seq.s32 s10, $0x1;
	s10 =	sld [smem:$0x3FB9]  }
0x3d: {  	_ =	shalt  }
0x3e: {  	_ =	shalt  }
0x3f: {  	_ =	shalt  }
0x40: {  	_ =	shalt  }
0x41: {  	_ =	shalt  }
0x42: {  	_ =	shalt  }
0x43: {  	_ =	shalt  }
0x44: {  	_ =	shalt  }
0x45: {  	_ =	shalt  }
0x46: {  	_ =	shalt  }
0x47: {  	_ =	shalt  }
0x48: {  	_ =	shalt  }
0x49: {  	_ =	shalt  }
0x4a: {  	_ =	shalt  }
0x4b: {  	_ =	shalt  }
0x4c: {  	_ =	shalt  }
0x4d: {  	_ =	shalt  }
0x4e: {  	_ =	shalt  }
0x4f: {  	_ =	shalt  }
0x50: {  	_ =	shalt  }
0x51: {  	_ =	shalt  }
0x52: {  	_ =	shalt  }
0x53: {  	_ =	shalt  }
0x54: {  	_ =	shalt  }
0x55: {  	_ =	shalt  }
0x56: {  	_ =	shalt  }
0x57: {  	_ =	shalt  }
0x58: {  	_ =	shalt  }
0x59: {  	_ =	shalt  }
0x5a: {  	_ =	shalt  }
0x5b: {  	_ =	shalt  }
0x5c: {  	_ =	shalt  }
0x5d: {  	_ =	shalt  }
0x5e: {  	_ =	shalt  }
0x5f: {  	_ =	shalt  }
0x60: {  	_ =	shalt  }
0x61: {  	_ =	shalt  }
0x62: {  	_ =	shalt  }
0x63: {  	_ =	shalt  }
0x64: {  	_ =	shalt  }
0x65: {  	_ =	shalt  }
0x66: {  	_ =	shalt  }
0x67: {  	_ =	shalt  }
0x68: {  	_ =	shalt  }
0x69: {  	_ =	shalt  }
0x6a: {  	_ =	shalt  }
0x6b: {  	_ =	shalt  }
0x6c: {  	_ =	shalt  }
0x6d: {  	_ =	shalt  }
0x6e: {  	_ =	shalt  }
0x6f: {  	_ =	shalt  }
0x70: {  	_ =	shalt  }
0x71: {  	_ =	shalt  }
0x72: {  	_ =	shalt  }
0x73: {  	_ =	shalt  }
0x74: {  	_ =	shalt  }
0x75: {  	_ =	shalt  }
0x76: {  	_ =	shalt  }
0x77: {  	_ =	shalt  }
0x78: {  	_ =	shalt  }
0x79: {  	_ =	shalt  }
0x7a: {  	_ =	shalt  }
0x7b: {  	_ =	shalt  }
0x7c: {  	_ =	shalt  }
0x7d: {  	_ =	shalt  }
0x7e: {  	_ =	shalt  }
0x7f: {  	_ =	shalt  }
0x80: {  	_ =	shalt  }
0x81: {  	_ =	shalt  }
0x82: {  	_ =	shalt  }
0x83: {  	_ =	shalt  }
0x84: {  	_ =	shalt  }
0x85: {  	_ =	shalt  }
0x86: {  	_ =	shalt  }
0x87: {  	_ =	shalt  }
.Lfunc_end0:
.L_simem_size_0:
called_computation_lowered:
.L_overlay_start_0:
0x88: {  	s2 =	sld [smem:$0x3FD9]  }
0x89: {  	s3 =	sld [smem:$0x3FFE];
	_ =	sdelay $0x1  }
0x8a: {  	s1 =	srdreg.scid  }
0x8b: {  	s0 =	sand.u32 $0x1, s1  }
0x8c: {  	s17 =	sshll.u32 s0, $0xA;
	s2 =	sadd.s32 s3, s2  }
0x8d: {  	s2 =	sadd.s32 s2, s17  }
0x8e: {  	[smem:$0x3FC5] =	sst s2  }
0x8f: {  	_ = 	snop  }
0x90: {  	s2 =	sld [smem:$0x3FC8]  }
0x91: {  	s18 =	sld [smem:$0x3FC7]  }
0x92: {  	s4 =	sld [smem:$0x3FD0];
	(tm) =	ssettm $0x1  }
0x93: {  	s5 =	sld [smem:$0x3FFB];
	_ =	sdelay $0x3  }
0x94: {  	_ =	strace s5  }
0x95: {  	s5 =	sld [smem:$0x3FFC];
	_ =	sdelay $0x3  }
0x96: {  	_ =	strace s5  }
0x97: {  	s5 =	sld [smem:$0x3FFD];
	_ =	sdelay $0x3  }
0x98: {  	_ =	strace s5  }
0x99: {  	_ =	strace $0x8FFFFFFF  }
0x9a: {  	s19 =	sld [smem:$0x3FDB];
	_ =	sdelay $0x1  }
0x9b: {  	s6 =	simm.s32 $_scs_section_size  }
0x9c: {  	s7 =	simm.s32 $_size__tile_overlayer_lowered;
	s8 =	simm.s32 $_tile_overlayer_lowered  }
0x9d: {  	s22 =	simm.s32 $0x1BFF;
	s21 =	sshll.u32 s8, $0x1;
	s5 =	sadd.s32 s6, s19  }
0x9e: {  	s9 =	simm.s32 $0x0;
	s20 =	sshll.u32 s7, $0x1;
	s7 =	sadd.s32 s21, s5  }
0x9f: {  	[timem:s9], [sflag:s22] =	dma.local [hbm:s7], s20  }
0xa0: {  	_ =	swait.ge [sflag:s22], s20  }
0xa1: {  	s6 =	ssub.s32 $0x0, s20;
	[sflag:s22] =	ssyncset.done $0x0  }
0xa2: {  	[sflag:s22] =	ssyncadd.s32 s6;
	_ =	sdelay $0x1  }
0xa3: {  	s23 =	simm.s32 $0x1B8B  }
0xa4: {  	_ =	swait.ge [sflag:s23], $0x1  }
0xa5: {  	[sflag:s23] =	ssyncset.done $0x0  }
0xa6: {  	s25 =	simm.s32 $0x1B8E;
	s24 =	sld [smem:$0x3FFE];
	[sflag:s23] =	ssyncadd.s32 $0xFFFFFFFF  }
0xa7: {  	s26 =	simm.s32 $execute0_lowered;
	[smem:$0x3FD2] =	sst s25  }
0xa8: {  	s7 =	sshll.u32 s26, $0x1;
	_ =	strace $0x80000046;
	[dreg:$0x1] =	wrdreg $0xFFFFFFFF  }
0xa9: {  	s28 =	simm.s32 $_size_execute0_lowered;
	s5 =	sadd.s32 s5, s7;
	[dreg:$0x0] =	wrdreg $0x0  }
0xaa: {  	s7 =	sshll.u32 s28, $0x1;
	[dreg:$0x2] =	wrdreg s5  }
0xab: {  	[dreg:$0x3] =	wrdreg s7  }
0xac: {  	[dreg:$0x4] =	wrdreg $0xC0  }
0xad: {  	_ =	task [dreg:s9], $0x5FFFF  }
0xae: {  	[dreg:$0x1] =	wrdreg $0xFFFFFFFF  }
0xaf: {  	[dreg:$0x0] =	wrdreg $0x60  }
0xb0: {  	[dreg:$0x2] =	wrdreg s24  }
0xb1: {  	[dreg:$0x3] =	wrdreg s2  }
0xb2: {  	[dreg:$0x4] =	wrdreg s18  }
0xb3: {  	[dreg:$0x5] =	wrdreg s4  }
0xb4: {  	[dreg:$0x6] =	wrdreg $0x9  }
0xb5: {  	_ =	task.clear_ibuf [dreg:s9], $0x7FFFF;
	_ =	strace $0x90000046  }
0xb6: {  	s29 =	simm.s32 $0x9;
	_ =	strace $0x80000048  }
0xb7: {  	_ =	swait.ge [sflag:s29], $0x1  }
0xb8: {  	[sflag:s29] =	ssyncadd.s32 $0xFFFFFFFF  }
0xb9: {  	_ =	strace $0x90000048  }
0xba: {  	_ =	sfence  }
0xbb: {  	s30 =	sld [smem:$0x0];
	_ =	sdelay $0x2  }
0xbc: {  	s31 =	sshll.u32 s1, $0xD;
	s1 =	sshrl.u32 s1, $0x2  }
0xbd: {  	s3 =	sand.u32 $0x4000, s31;
	s1 =	sadd.s32 s1, s30  }
0xbe: {  	s0 =	sor.u32 s3, s0;
	s1 =	sshll.u32 s1, $0x11  }
0xbf: {  	s0 =	sor.u32 s1, s0  }
0xc0: {  	s0 =	sadd.s32 $0x8F2B, s0  }
0xc1: {  	[sflag:s0] =	ssyncadd.remote.s32 $0x1  }
0xc2: {  	_ =	sfence.sel $0xFFFF  }
0xc3: {  	[dreg:$0x0] =	wrdreg $0xFFFFFFFF;
	(pc) =	sbr.abs _section_cstart, $3  }
0xc4: {  	[dreg:$0x1] =	wrdreg $0xFFFFFFFF  }
0xc5: {  	_ =	task.clear_ibuf [dreg:s9], $0x2FFFF;
	_ =	strace $0x9FFFFFFF  }
0xc6: {  	(tm) =	ssettm $0x7FFFFFFF  }
0xc7: {  	_ =	shalt  }
tec
execute0_lowered:
.L_overlay_start_1:
0x0: {  	(tag) =	ssettag $0x1  }
0x1: {  	s0 =	rddreg [dreg:$0x0]  }
0x2: {  	s2 =	rddreg [dreg:$0x1]  }
0x3: {  	s3 =	rddreg [dreg:$0x2];
	s1 =	srdreg.scid  }
0x4: {  	s8 =	rddreg [dreg:$0x3];
	s4 =	stileid.u32  }
0x5: {  	s10 =	simm.s32 $0x200;
	s11 =	simm.s32 $0x400;
	s12 =	simm.s32 $0x1  }
0x6: {  	s13 =	simm.s32 $0x2;
	s14 =	simm.s32 $0x3;
	s15 =	simm.s32 $0x40  }
0x7: {  	s25 =	simm.s32 $0x4;
	s26 =	simm.s32 $0x0;
	s1 =	sand.u32 $0x1, s1  }
0x8: {  	s5 =	sshll.u32 s4, $0x7;
	s4 =	simm.s32 $0x0;
	s6 =	sshll.u32 s1, $0x6  }
0x9: {  	s1 =	ssub.s32 $0x2, s1;
	[smem:$0x7FF] =	sst s4;
	s9 =	sor.u32 s6, s5  }
0xa: {  	s31 =	sshrl.u32 s1, $0x1;
	_ =	strace $0x80000047;
	s0 =	sadd.s32 s9, s0  }
0xb: {  	s1 =	ssub.s32 s1, s31;
	s8 =	sadd.s32 s8, s9;
	s5 =	sadd.s32 $0x1600, s0  }
0xc: {  	v0 =	vlaneseq.u32;
	s6 =	sadd.s32 $0xE00, s0;
	s7 =	sadd.s32 $0x600, s0;
	s9 =	smax.u32 s1, $0x1  }
.LBB2_1:
0xd: {  	[tilespmem:s4], [sflag:$0x1] =	stream.linear.gather [hbm4b:s5+s4], $0x200, $0x38;
	[tilespmem:$0x12800] =	vst v63  }
0xe: {  	_ = 	snop  }
0xf: {  	[tilespmem:s10], [sflag:$0x2] =	stream.linear.gather [hbm4b:s6+s4], $0x200, $0x38;
	[tilespmem:$0x12800] =	vst v63  }
0x10: {  	_ = 	snop  }
0x11: {  	[tilespmem:s11], [sflag:$0x3] =	stream.linear.gather [hbm4b:s7+s4], $0x200, $0x38;
	[tilespmem:$0x12800] =	vst v63  }
0x12: {  	_ =	swait.ge [sflag:s12], $0x200  }
0x13: {  	[sflag:s12] =	ssyncset.done $0x0  }
0x14: {  	[sflag:s12] =	ssyncadd.s32 $0xFFFFFE00  }
0x15: {  	_ =	swait.ge [sflag:s13], $0x200  }
0x16: {  	[sflag:s13] =	ssyncset.done $0x0  }
0x17: {  	[sflag:s13] =	ssyncadd.s32 $0xFFFFFE00  }
0x18: {  	_ =	swait.ge [sflag:s14], $0x200  }
0x19: {  	[sflag:s14] =	ssyncset.done $0x0  }
0x1a: {  	s0 =	simm.s32 $0x600;
	[sflag:s14] =	ssyncadd.s32 $0xFFFFFE00  }
0x1b: {  	[tilespmem:s0], [sflag:$0x1] =	stream.indirect.gather [hbm4b:s2+s15], $0x80, s4, s15, $0xb8;
	[tilespmem:$0x12800] =	vst v63  }
0x1c: {  	s19 =	simm.s32 $0x6600  }
0x1d: {  	[tilespmem:s19], [sflag:$0x1] =	stream.indirect.gather [hbm4b:s3+s15], $0x80, s10, s15, $0xb8;
	[tilespmem:$0x12800] =	vst v63  }
0x1e: {  	s20 =	simm.s32 $0xC600  }
0x1f: {  	[tilespmem:s20], [sflag:$0x1] =	stream.indirect.gather [hbm4b:s2+s15], $0x80, s11, s15, $0xb8;
	[tilespmem:$0x12800] =	vst v63  }
0x20: {  	s21 =	simm.s32 $0x2600;
	s22 =	simm.s32 $0x240;
	s1 =	simm.s32 $0x8600  }
0x21: {  	[tilespmem:s21], [sflag:$0x2] =	stream.indirect.gather [hbm4b:s2+s15], $0x80, s15, s15, $0xb8;
	[tilespmem:$0x12800] =	vst v63  }
0x22: {  	s23 =	simm.s32 $0x440;
	s24 =	simm.s32 $0xE600;
	s28 =	simm.s32 $0xC680  }
0x23: {  	[tilespmem:s1], [sflag:$0x2] =	stream.indirect.gather [hbm4b:s3+s15], $0x80, s22, s15, $0xb8;
	[tilespmem:$0x12800] =	vst v63  }
0x24: {  	s29 =	simm.s32 $0x6680;
	s30 =	simm.s32 $0x680;
	s31 =	simm.s32 $0x0  }
0x25: {  	[tilespmem:s24], [sflag:$0x2] =	stream.indirect.gather [hbm4b:s2+s15], $0x80, s23, s15, $0xb8;
	[tilespmem:$0x12800] =	vst v63  }
.LBB2_2:
0x26: {  	s0 =	smul.u32 $0xAB, s31;
	_ =	sdelay $0x1  }
0x27: {  	s0 =	sshrl.u32 s0, $0x9  }
0x28: {  	s0 =	sand.u32 $0x7F, s0  }
0x29: {  	s0 =	smul.u32 $0x3, s0;
	_ =	sdelay $0x1  }
0x2a: {  	s0 =	ssub.s32 s31, s0  }
0x2b: {  	p0 =	sgt.u32 s31, $0x5;
	s0 =	sand.u32 $0xFF, s0  }
0x2c: {  	s1 =	sadd.s32 @!p0 $0x2, s31;
	s0 =	sadd.s32 $0x1, s0  }
0x2d: {  	s16 =	smul.u32 @!p0 $0xAB, s1;
	_ =	swait.ge [sflag:s0], $0x2000  }
0x2e: {  	[sflag:s0] =	ssyncset.done $0x0  }
0x2f: {  	s16 =	sshrl.u32 @!p0 s16, $0x9;
	[sflag:s0] =	ssyncadd.s32 $0xFFFFE000  }
0x30: {  	s16 =	sand.u32 @!p0 $0x7F, s16;
	_ =	swait.ge [sflag:s0], $0x2000  }
0x31: {  	s16 =	smul.u32 @!p0 $0x3, s16;
	[sflag:s0] =	ssyncset.done $0x0  }
0x32: {  	[sflag:s0] =	ssyncadd.s32 $0xFFFFE000  }
0x33: {  	s17 =	smulhi.u32 $0xAAAAAAAB, s31;
	s16 =	ssub.s32 @!p0 s1, s16;
	_ =	swait.ge [sflag:s0], $0x2000  }
0x34: {  	s23 =	sshll.u32 s31, $0x6;
	s16 =	sand.u32 @!p0 $0xFF, s16;
	[sflag:s0] =	ssyncset.done $0x0  }
0x35: {  	[sflag:s0] =	ssyncadd.s32 $0xFFFFE000;
	s0 =	sshll.u32 @!p0 s1, $0x6;
	s1 =	sshll.u32 @!p0 s16, $0xD  }
0x36: {  	s19 =	simm.s32 @!p0 $0x40;
	s16 =	sadd.s32 @!p0 $0x1, s16;
	s18 =	sor.u32 @!p0 $0x600, s1  }
0x37: {  	[tilespmem:s18], [sflag:s16] =	stream.indirect.gather @!p0 [hbm4b:s2+s19], $0x80, s0, s19, $0xb8;
	[tilespmem:$0x12800] =	vst v63  }
0x38: {  	s17 =	sshrl.u32 s17, $0x1;
	s20 =	sadd.s32 @!p0 $0x200, s0;
	s18 =	sadd.s32 @!p0 $0x6600, s1  }
0x39: {  	[tilespmem:s18], [sflag:s16] =	stream.indirect.gather @!p0 [hbm4b:s3+s19], $0x80, s20, s19, $0xb8;
	[tilespmem:$0x12800] =	vst v63  }
0x3a: {  	s17 =	smul.u32 $0xFFFE8000, s17;
	s1 =	sadd.s32 @!p0 $0xC600, s1;
	s0 =	sadd.s32 @!p0 $0x400, s0  }
0x3b: {  	[tilespmem:s1], [sflag:s16] =	stream.indirect.gather @!p0 [hbm4b:s2+s19], $0x80, s0, s19, $0xb8;
	[tilespmem:$0x12800] =	vst v63  }
0x3c: {  	s0 =	sand.u32 $0x3FFFFFC0, s23  }
0x3d: {  	s24 =	sshra.s32 s17, $0x2;
	s17 =	simm.s32 $0x0;
	s0 =	sadd.s32 $0x12600, s0  }
0x3e: {  	s21 =	sadd.s32 s24, s28;
	s22 =	sadd.s32 s24, s29;
	s16 =	sadd.s32 s24, s30;
	v1 =	vmov s0  }
.LBB2_3:
0x3f: {  	v5 =	vld [tilespmem:s16+$0x0]  }
0x40: {  	v6 =	vld [tilespmem:s22+$0x60]  }
0x41: {  	v7 =	vld [tilespmem:s21+$0xFFFFFFE0]  }
0x42: {  	v2 =	vld [tilespmem:s21+$0xFFFFFFD0]  }
0x43: {  	v20 =	vld [tilespmem:s16+$0x70]  }
0x44: {  	v3 =	vld [tilespmem:s21+$0x50]  }
0x45: {  	v4 =	vld [tilespmem:s22+$0x50]  }
0x46: {  	v8 =	vld [tilespmem:s16+$0xFFFFFFE0]  }
0x47: {  	v9 =	vld [tilespmem:s22+$0xFFFFFFE0]  }
0x48: {  	v10 =	vld [tilespmem:s16+$0x50]  }
0x49: {  	v11 =	vld [tilespmem:s21+$0x30]  }
0x4a: {  	v12 =	vld [tilespmem:s21+$0xFFFFFFC0]  }
0x4b: {  	v13 =	vld [tilespmem:s21+$0xFFFFFF80]  }
0x4c: {  	v14 =	vld [tilespmem:s21+$0x10]  }
0x4d: {  	v16 =	vld [tilespmem:s21+$0x0]  }
0x4e: {  	v15 =	vld [tilespmem:s22+$0x30]  }
0x4f: {  	v17 =	vld [tilespmem:s16+$0xFFFFFFD0]  }
0x50: {  	v18 =	vld [tilespmem:s16+$0x30]  }
0x51: {  	v21 =	vld [tilespmem:s21+$0xFFFFFFA0]  }
0x52: {  	v22 =	vld [tilespmem:s21+$0xFFFFFF90]  }
0x53: {  	v23 =	vld [tilespmem:s22+$0x10]  }
0x54: {  	v24 =	vld [tilespmem:s22+$0xFFFFFFD0]  }
0x55: {  	v25 =	vld [tilespmem:s16+$0xFFFFFF80]  }
0x56: {  	v26 =	vld [tilespmem:s16+$0x10]  }
0x57: {  	v27 =	vld [tilespmem:s16+$0xFFFFFFC0]  }
0x58: {  	v28 =	vld [tilespmem:s22+$0xFFFFFF80]  }
0x59: {  	v29 =	vld [tilespmem:s22+$0xFFFFFFC0]  }
0x5a: {  	v30 =	vld [tilespmem:s16+$0xFFFFFF90]  }
0x5b: {  	v31 =	vld [tilespmem:s16+$0xFFFFFFB0]  }
0x5c: {  	v34 =	vld [tilespmem:s22+$0x0]  }
0x5d: {  	v59 =	vld [tilespmem:s22+$0xFFFFFFB0]  }
0x5e: {  	v32 =	vld [tilespmem:s22+$0xFFFFFF90]  }
0x5f: {  	v33 =	vld [tilespmem:s16+$0x20];
	v4 =	vadd.f32 v4, v10;
	v10 =	vadd.f32 v15, v18  }
0x60: {  	v60 =	vld [tilespmem:s22+$0x40];
	v58 =	vadd.f32 v29, v27;
	v17 =	vadd.f32 v24, v17  }
0x61: {  	v15 =	vld [tilespmem:s16+$0xFFFFFFA0];
	v9 =	vadd.f32 v9, v8;
	v5 =	vadd.f32 v34, v5  }
0x62: {  	v18 =	vld [tilespmem:s22+$0xFFFFFFA0];
	v24 =	vadd.f32 v59, v31;
	v4 =	vsub.f32 v4, v3  }
0x63: {  	v62 =	vld [tilespmem:s16+$0x40];
	v3 =	vsub.f32 v10, v11;
	v10 =	vadd.f32 v28, v25  }
0x64: {  	v11 =	vadd.f32 v23, v26;
	v23 =	vld [tilespmem:s22+$0x20];
	v17 =	vsub.f32 v17, v2  }
0x65: {  	v19 =	vld [tilespmem:s21+$0x20];
	v25 =	vsub.f32 v58, v12;
	v7 =	vsub.f32 v9, v7  }
0x66: {  	v61 =	vld [tilespmem:s22+$0x70];
	v13 =	vsub.f32 v10, v13;
	v10 =	vsub.f32 v11, v14  }
0x67: {  	v63 =	vld [tilespmem:s21+$0xFFFFFFB0];
	v11 =	vadd.f32 v32, v30;
	v9 =	vadd.f32 v18, v15  }
0x68: {  	v3 =	vand.u32 $0x7FFFFFFF, v3;
	v14 =	vld [tilespmem:s21+$0x40];
	v15 =	vadd.f32 v60, v62;
	v18 =	vsub.f32 v5, v16  }
0x69: {  	v8 =	vand.u32 $0x7FFFFFFF, v10;
	v11 =	vsub.f32 v11, v22;
	v22 =	vld [tilespmem:s16+$0x60];
	v12 =	vadd.f32 v23, v33  }
0x6a: {  	s19 =	simm.s32 $0x0;
	v2 =	vimm.f32 $0.0e+00;
	v10 =	vadd.f32 v3, v8;
	v21 =	vsub.f32 v9, v21;
	v9 =	vld [tilespmem:s21+$0x70]  }
0x6b: {  	v3 =	vmov s19;
	v8 =	vand.u32 $0x7FFFFFFF, v17;
	v17 =	vsub.f32 v12, v19;
	v19 =	vld [tilespmem:s21+$0x60]  }
0x6c: {  	v23 =	vand.u32 $0x7FFFFFFF, v13;
	v13 =	vld [tilespmem:s21+$0xFFFFFFF0];
	v12 =	vand.u32 $0x7FFFFFFF, v7;
	v7 =	vand.u32 $0x7FFFFFFF, v21  }
0x6d: {  	s18 =	simm.s32 $0xFFFFFFFE;
	v21 =	vsub.f32 v24, v63;
	v23 =	vadd.f32 v7, v23;
	v16 =	vand.u32 $0x7FFFFFFF, v17;
	v17 =	vld [tilespmem:s22+$0xFFFFFFF0]  }
0x6e: {  	s20 =	sadd.s32 $0x100, s16;
	s0 =	smov.u32 s21;
	s1 =	smov.u32 s22;
	v5 =	vadd.f32 v6, v22;
	v6 =	vadd.f32 v61, v20;
	v22 =	vand.u32 $0x7FFFFFFF, v25;
	v20 =	vld [tilespmem:s16+$0xFFFFFFF0]  }
.LBB2_4:
0x6f: {  	s0 =	sadd.s32 $0x100, s0  }
0x70: {  	v7 =	vld [tilespmem:s20+$0x0];
	v19 =	vsub.f32 v5, v19;
	s1 =	sadd.s32 $0x100, s1;
	s23 =	smov.u32 s19;
	s19 =	sadd.s32 $0x2, s19  }
0x71: {  	v4 =	vand.u32 $0x7FFFFFFF, v4;
	v5 =	vld [tilespmem:s1+$0x60];
	p0 =	slt.u32 s19, $0xE;
	v22 =	vadd.f32 v22, v23;
	v6 =	vsub.f32 v6, v9  }
0x72: {  	v18 =	vand.u32 $0x7FFFFFFF, v18;
	v14 =	vsub.f32 v15, v14;
	v21 =	vand.u32 $0x7FFFFFFF, v21;
	v9 =	vld [tilespmem:s0+$0xFFFFFFE0]  }
0x73: {  	v16 =	vadd.f32 v16, v18;
	v18 =	vand.u32 $0x7FFFFFFF, v19;
	v15 =	vld [tilespmem:s0+$0xFFFFFFD0];
	v19 =	vand.u32 $0x7FFFFFFF, v6  }
0x74: {  	v14 =	vand.u32 $0x7FFFFFFF, v14;
	v12 =	vadd.f32 v12, v22;
	v6 =	vld [tilespmem:s20+$0x70];
	v17 =	vadd.f32 v17, v20  }
0x75: {  	v11 =	vand.u32 $0x7FFFFFFF, v11;
	v4 =	vadd.f32 v4, v10;
	v14 =	vadd.f32 v14, v16;
	v20 =	vld [tilespmem:s0+$0x50]  }
0x76: {  	v10 =	vmov s19;
	v11 =	vadd.f32 v21, v11;
	v16 =	vld [tilespmem:s1+$0x50];
	v13 =	vsub.f32 v17, v13  }
0x77: {  	v4 =	vadd.f32 v19, v4;
	v14 =	vadd.f32 v18, v14;
	v17 =	vld [tilespmem:s20+$0xFFFFFFE0]  }
0x78: {  	v8 =	vadd.f32 v8, v11;
	v18 =	vld [tilespmem:s1+$0xFFFFFFE0]  }
0x79: {  	v4 =	vadd.f32 v4, v14;
	v13 =	vand.u32 $0x7FFFFFFF, v13;
	v11 =	vld [tilespmem:s20+$0x50]  }
0x7a: {  	v8 =	vadd.f32 v13, v8;
	v14 =	vld [tilespmem:s0+$0x30]  }
0x7b: {  	v13 =	vld [tilespmem:s0+$0xFFFFFFC0];
	(xrf2) =	vadd.scan.msk.f32 $0xffff, v4  }
0x7c: {  	v4 =	vadd.f32 v8, v12;
	v19 =	vld [tilespmem:s0+$0xFFFFFF80]  }
0x7d: {  	v8 =	vld [tilespmem:s0+$0x10]  }
0x7e: {  	v21 =	vld [tilespmem:s0+$0x0];
	v11 =	vadd.f32 v16, v11;
	(xrf2) =	vadd.scan.msk.f32 $0xffff, v4  }
0x7f: {  	v12 =	vld [tilespmem:s1+$0x30]  }
0x80: {  	v16 =	vld [tilespmem:s20+$0xFFFFFFD0];
	v4 =	vsub.f32 v11, v20  }
0x81: {  	v11 =	vld [tilespmem:s20+$0x30]  }
0x82: {  	v20 =	vld [tilespmem:s0+$0xFFFFFFA0]  }
0x83: {  	v22 =	vld [tilespmem:s0+$0x20]  }
0x84: {  	v23 =	vld [tilespmem:s0+$0xFFFFFF90]  }
0x85: {  	v24 =	vld [tilespmem:s1+$0x10];
	v25, _, _ =	vpop (xrf2)  }
0x86: {  	v26 =	vld [tilespmem:s1+$0xFFFFFFD0];
	v11 =	vadd.f32 v12, v11;
	v12 =	vbroadcast v25, $0xF  }
0x87: {  	v25 =	vld [tilespmem:s20+$0xFFFFFF80]  }
0x88: {  	v27 =	vld [tilespmem:s20+$0x10];
	v11 =	vsub.f32 v11, v14;
	v14, _, _ =	vpop (xrf2)  }
0x89: {  	v28 =	vld [tilespmem:s20+$0xFFFFFFC0];
	v14 =	vbroadcast v14, $0xF  }
0x8a: {  	vm0 =	veq.s32 v3, v0;
	s24 =	sadd.s32 $0x3, s18;
	s18 =	smov.u32 s23;
	v3 =	vmov v10;
	v29 =	vld [tilespmem:s1+$0xFFFFFF80]  }
0x8b: {  	v30 =	vmov s24;
	v10 =	vld [tilespmem:s1+$0xFFFFFFC0];
	v14 =	vnsel vm0, $0x0, v14  }
0x8c: {  	vm0 =	veq.s32 v30, v0;
	v31 =	vld [tilespmem:s20+$0xFFFFFF90];
	v2 =	vadd.f32 v14, v2  }
0x8d: {  	v12 =	vnsel vm0, $0x0, v12;
	v30 =	vld [tilespmem:s20+$0xFFFFFFB0]  }
0x8e: {  	v14 =	vld [tilespmem:s1+$0xFFFFFF90];
	v2 =	vadd.f32 v12, v2  }
0x8f: {  	v12 =	vld [tilespmem:s20+$0x20]  }
0x90: {  	v24 =	vadd.f32 v24, v27;
	v25 =	vadd.f32 v29, v25;
	v29 =	vld [tilespmem:s20+$0xFFFFFFA0]  }
0x91: {  	v28 =	vadd.f32 v10, v28;
	v27 =	vld [tilespmem:s1+$0xFFFFFFA0]  }
0x92: {  	v10 =	vadd.f32 v26, v16;
	v16 =	vld [tilespmem:s1+$0x0]  }
0x93: {  	v8 =	vsub.f32 v24, v8;
	v19 =	vsub.f32 v25, v19;
	v24 =	vld [tilespmem:s1+$0x20]  }
0x94: {  	v11 =	vand.u32 $0x7FFFFFFF, v11;
	v10 =	vsub.f32 v10, v15;
	v14 =	vadd.f32 v14, v31;
	v25 =	vld [tilespmem:s1+$0xFFFFFFB0]  }
0x95: {  	v15 =	vadd.f32 v18, v17;
	v17 =	vand.u32 $0x7FFFFFFF, v8;
	v18 =	vld [tilespmem:s1+$0x40]  }
0x96: {  	v8 =	vand.u32 $0x7FFFFFFF, v10;
	v10 =	vadd.f32 v11, v17;
	v26 =	vld [tilespmem:s1+$0x70]  }
0x97: {  	v17 =	vsub.f32 v28, v13;
	v11 =	vsub.f32 v14, v23;
	v13 =	vld [tilespmem:s20+$0x40]  }
0x98: {  	v9 =	vsub.f32 v15, v9;
	v23 =	vld [tilespmem:s20+$0x60]  }
0x99: {  	v28 =	vand.u32 $0x7FFFFFFF, v19;
	v7 =	vadd.f32 v16, v7;
	v12 =	vadd.f32 v24, v12;
	v14 =	vld [tilespmem:s0+$0x40]  }
0x9a: {  	v15 =	vadd.f32 v27, v29;
	v25 =	vadd.f32 v25, v30;
	v24 =	vld [tilespmem:s0+$0xFFFFFFB0]  }
.Ltmp0:
0x9b: {  	v16 =	vsub.f32 v12, v22;
	v19 =	vld [tilespmem:s0+$0x60];
	(pc) =	sbr.rel @p0 .LBB2_4-.Ltmp0, $4  }
0x9c: {  	v20 =	vsub.f32 v15, v20;
	v12 =	vand.u32 $0x7FFFFFFF, v9;
	v15 =	vadd.f32 v18, v13;
	v9 =	vld [tilespmem:s0+$0x70]  }
0x9d: {  	v18 =	vsub.f32 v7, v21;
	v16 =	vand.u32 $0x7FFFFFFF, v16;
	v13 =	vld [tilespmem:s0+$0xFFFFFFF0];
	v5 =	vadd.f32 v5, v23  }
0x9e: {  	v22 =	vand.u32 $0x7FFFFFFF, v17;
	v6 =	vadd.f32 v26, v6;
	v7 =	vand.u32 $0x7FFFFFFF, v20;
	v17 =	vld [tilespmem:s1+$0xFFFFFFF0]  }
0x9f: {  	v23 =	vadd.f32 v7, v28;
	v21 =	vsub.f32 v25, v24;
	v20 =	vld [tilespmem:s20+$0xFFFFFFF0];
	s20 =	sadd.s32 $0x100, s20  }
0xa0: {  	_ = 	snop  }
0xa1: {  	v5 =	vsub.f32 v5, v19  }
0xa2: {  	v18 =	vand.u32 $0x7FFFFFFF, v18;
	v14 =	vsub.f32 v15, v14;
	v11 =	vand.u32 $0x7FFFFFFF, v11  }
0xa3: {  	v4 =	vand.u32 $0x7FFFFFFF, v4;
	v7 =	vadd.f32 v22, v23;
	v6 =	vsub.f32 v6, v9  }
0xa4: {  	v56 =	vand.u32 $0x7FFFFFFF, v21;
	v57 =	vadd.f32 v16, v18;
	v58 =	vadd.f32 v17, v20  }
0xa5: {  	v4 =	vadd.f32 v4, v10;
	v14 =	vand.u32 $0x7FFFFFFF, v14;
	v9 =	vadd.f32 v56, v11  }
0xa6: {  	v14 =	vadd.f32 v14, v57;
	v59 =	vsub.f32 v58, v13  }
0xa7: {  	v5 =	vand.u32 $0x7FFFFFFF, v5;
	v6 =	vand.u32 $0x7FFFFFFF, v6;
	v8 =	vadd.f32 v8, v9  }
0xa8: {  	v4 =	vadd.f32 v6, v4;
	v5 =	vadd.f32 v5, v14;
	v60 =	vand.u32 $0x7FFFFFFF, v59  }
0xa9: {  	v7 =	vadd.f32 v12, v7;
	v6 =	vadd.f32 v60, v8  }
0xaa: {  	v4 =	vadd.f32 v4, v5  }
0xab: {  	v61 =	vadd.f32 v6, v7  }
0xac: {  	(xrf2) =	vadd.scan.msk.f32 $0xffff, v4  }
0xad: {  	(xrf2) =	vadd.scan.msk.f32 $0xffff, v61;
	_ =	sdelay $0x8  }
0xae: {  	v4, _, _ =	vpop (xrf2)  }
0xaf: {  	v5, _, _ =	vpop (xrf2)  }
0xb0: {  	v5 =	vbroadcast v5, $0xF  }
0xb1: {  	vm0 =	veq.s32 v3, v0;
	s0 =	sadd.s32 $0x3, s18  }
0xb2: {  	v63 =	vmov s0;
	v3 =	vbroadcast v4, $0xF;
	v62 =	vnsel vm0, $0x0, v5  }
0xb3: {  	s24 =	sshll.u32 s17, $0x4;
	s17 =	sadd.s32 $0x1, s17;
	vm15 =	veq.s32 v63, v0;
	v2 =	vadd.f32 v62, v2  }
0xb4: {  	p0 =	sne.s32 s17, $0x4;
	v3 =	vnsel vm15, $0x0, v3  }
.Ltmp1:
0xb5: {  	v2 =	vadd.f32 v3, v2;
	(pc) =	sbr.rel @p0 .LBB2_3-.Ltmp1, $4  }
0xb6: {  	_ = 	snop  }
0xb7: {  	v2 =	vsub.f32 $1.200000000e+01, v2  }
0xb8: {  	s0 =	sand.u32 $0x3FFFFFF0, s24  }
0xb9: {  	s21 =	sadd.s32 $0x800, s21;
	s22 =	sadd.s32 $0x800, s22;
	s16 =	sadd.s32 $0x800, s16;
	[tilespmem:v1+s0+$0x0 ss:$0x1] =	vst.idx.msk $0xffff, v2  }
0xba: {  	s31 =	sadd.s32 $0x1, s31  }
0xbb: {  	p0 =	sne.s32 s31, $0x8  }
.Ltmp2:
0xbc: {  	_ = 	snop;
	(pc) =	sbr.rel @p0 .LBB2_2-.Ltmp2, $2  }
0xbd: {  	_ =	sdelay $0x2  }
0xbe: {  	s28 =	sadd.s32 $0x2000, s28;
	s29 =	sadd.s32 $0x2000, s29;
	s30 =	sadd.s32 $0x2000, s30  }
0xbf: {  	s26 =	sadd.s32 $0x1, s26  }
0xc0: {  	p0 =	sne.s32 s26, s9  }
.Ltmp3:
0xc1: {  	s0 =	simm.s32 $0x12600;
	(pc) =	sbr.rel @p0 .LBB2_1-.Ltmp3, $4  }
0xc2: {  	[hbm4b:s8+s4] =	stream.linear.scatter [tilespmem:s0], [sflag:$0x4], $0x200, $0x38;
	[tilespmem:$0x12800] =	vst v63  }
0xc3: {  	_ =	swait.ge [sflag:s25], $0x200  }
0xc4: {  	[sflag:s25] =	ssyncset.done $0x0  }
0xc5: {  	[sflag:s25] =	ssyncadd.s32 $0xFFFFFE00  }
0xc6: {  	_ =	sfence.sel $0x180000  }
0xc7: {  	[bflag:$0x0] =	sbarrier.arrive $0xFFFF  }
0xc8: {  	_ =	strace $0x90000047  }
0xc9: {  	s0 =	stileid.u32;
	[bflag:$0x2] =	sbarrier.arrive $0xFFFF  }
0xca: {  	p0 =	sne.s32 s0, $0x0;
	s0 =	rddreg [dreg:$0x4]  }
0xcb: {  	s0 =	sadd.s32 @!p0 $0x100000, s0  }
0xcc: {  	[sflag:s0] =	ssyncadd.tile.s32 @!p0 $0x1;
	_ =	shalt  }
.Lfunc_end2:
_tile_overlayer_lowered:
.L_overlay_start_2:
0xcd: {  	(tag) =	ssettag $0x2  }
0xce: {  	s0 =	rddreg [dreg:$0x0];
	s2 =	stileid.u32  }
0xcf: {  	s1 =	rddreg [dreg:$0x1];
	p0 =	sne.s32 s2, $0x0  }
0xd0: {  	s3 =	rddreg [dreg:$0x2];
	[bflag:$0x3] =	sbarrier.arrive $0xFFFF;
	s2 =	simm.s32 @!p0 $0x1C04  }
0xd1: {  	[timem:s3], [sflag:s2] =	dma.local @!p0 [hbm:s0], s1  }
0xd2: {  	s0 =	simm.s32 @!p0 $0x4  }
0xd3: {  	_ =	swait.ge @!p0 [sflag:s0], s1  }
0xd4: {  	s1 =	ssub.s32 @!p0 $0x0, s1;
	[sflag:s0] =	ssyncset.done @!p0 $0x0  }
0xd5: {  	[sflag:s0] =	ssyncadd.s32 @!p0 s1  }
0xd6: {  	[bflag:$0x3] =	sbarrier.arrive $0xFFFF  }
0xd7: {  	_ =	shalt  }

</sc_bundles>
